<compile_context>
chip_gen: v7x
topology: tpu7x:2x2x1
jax: 0.10.2.dev20260603
libtpu: 0.0.44.dev20260713+nightly
codegen_flags: <defaults>
</compile_context>

<pallas_src>
import functools

import jax
import jax.numpy as jnp
from jax import lax
from jax.experimental import pallas as pl
from jax.experimental.pallas import tpu as pltpu
from jax.experimental.pallas import tpu_sc as plsc

B = 4096
L = 50
EMBED = 128
HID = 64
LANES = 16
NC = 2
NS = 16
NW = NC * NS
BPW = B // NW
PAIRS = BPW // 2
PL2 = 2 * L
NCH = HID // LANES


def _fold_body(t_ref, w_ref, o_ref):
    o_ref[...] = jnp.dot(t_ref[...], w_ref[...],
                         preferred_element_type=jnp.float32)


def _fold(table, w1_part, blk):
    v = table.shape[0]
    return pl.pallas_call(
        _fold_body,
        grid=(v // blk,),
        in_specs=[
            pl.BlockSpec((blk, EMBED), lambda i: (i, 0)),
            pl.BlockSpec((EMBED, HID), lambda i: (0, 0)),
        ],
        out_specs=pl.BlockSpec((blk, HID), lambda i: (i, 0)),
        out_shape=jax.ShapeDtypeStruct((v, HID), jnp.float32),
    )(table, w1_part)


def _sc_gather_pool(diag_codes, proc_codes, med_codes, f_diag, f_proc, f_med):
    mesh = plsc.VectorSubcoreMesh(core_axis_name="c", subcore_axis_name="s")

    @functools.partial(
        pl.kernel,
        mesh=mesh,
        compiler_params=pltpu.CompilerParams(use_tc_tiling_on_sc=False),
        out_type=jax.ShapeDtypeStruct((B, HID), jnp.float32),
        scratch_types=[
            pltpu.VMEM((PAIRS, PL2), jnp.int32),
            pltpu.VMEM((PAIRS, PL2), jnp.int32),
            pltpu.VMEM((PAIRS, PL2), jnp.int32),
            pltpu.VMEM((2, 3, PL2, HID), jnp.float32),
            pltpu.VMEM((BPW, HID), jnp.float32),
            pltpu.SemaphoreType.DMA,
            pltpu.SemaphoreType.DMA,
        ],
    )
    def k(diag_hbm, proc_hbm, med_hbm, fd_hbm, fp_hbm, fm_hbm, out_hbm,
          idx_d, idx_p, idx_m, rows, out_v, sem0, sem1):
        wid = lax.axis_index("s") * NC + lax.axis_index("c")
        pbase = wid * PAIRS
        sems = (sem0, sem1)
        tables = (fd_hbm, fp_hbm, fm_hbm)
        idxs = (idx_d, idx_p, idx_m)

        pltpu.sync_copy(diag_hbm.at[pl.ds(pbase, PAIRS)], idx_d)
        pltpu.sync_copy(proc_hbm.at[pl.ds(pbase, PAIRS)], idx_p)
        pltpu.sync_copy(med_hbm.at[pl.ds(pbase, PAIRS)], idx_m)

        def fire(p, slot):
            sem = sems[slot]
            for t in range(3):
                pltpu.make_async_copy(
                    tables[t].at[idxs[t].at[p]], rows.at[slot, t], sem).start()

        def drain(slot):
            sem = sems[slot]
            for t in range(3):
                pltpu.make_async_copy(
                    tables[t].at[idxs[t].at[0]], rows.at[slot, t], sem).wait()

        fire(0, 0)
        fire(1, 1)

        def pair_body(p2, _):
            for slot in range(2):
                p = p2 * 2 + slot
                drain(slot)

                def row_body(r, accs, slot=slot):
                    new = list(accs)
                    for t in range(3):
                        for c in range(NCH):
                            sl = pl.ds(c * LANES, LANES)
                            new[c] = new[c] + rows[slot, t, r, sl]
                            new[NCH + c] = new[NCH + c] + rows[slot, t, L + r, sl]
                    return tuple(new)

                accs = lax.fori_loop(
                    0, L, row_body,
                    tuple(jnp.zeros((LANES,), jnp.float32)
                          for _ in range(2 * NCH)))
                for c in range(NCH):
                    out_v[2 * p, pl.ds(c * LANES, LANES)] = accs[c]
                    out_v[2 * p + 1, pl.ds(c * LANES, LANES)] = accs[NCH + c]

                @pl.when(p + 2 < PAIRS)
                def _(p=p, slot=slot):
                    fire(p + 2, slot)
            return 0

        lax.fori_loop(0, PAIRS // 2, pair_body, 0)

        pltpu.sync_copy(out_v, out_hbm.at[pl.ds(wid * BPW, BPW)])

    return k(diag_codes, proc_codes, med_codes, f_diag, f_proc, f_med)


def _tail_body(h_ref, b1_ref, w2_ref, b2_ref, o_ref):
    h = jnp.maximum(h_ref[...] + b1_ref[...], 0.0)
    z = jnp.dot(h, w2_ref[...], preferred_element_type=jnp.float32)
    o_ref[...] = jax.nn.sigmoid(z + b2_ref[...])


def _tc_tail(hsum, b1, W2, b2):
    blk = 512
    nout = W2.shape[1]
    return pl.pallas_call(
        _tail_body,
        grid=(B // blk,),
        in_specs=[
            pl.BlockSpec((blk, HID), lambda i: (i, 0)),
            pl.BlockSpec((1, HID), lambda i: (0, 0)),
            pl.BlockSpec((HID, nout), lambda i: (0, 0)),
            pl.BlockSpec((1, nout), lambda i: (0, 0)),
        ],
        out_specs=pl.BlockSpec((blk, nout), lambda i: (i, 0)),
        out_shape=jax.ShapeDtypeStruct((B, nout), jnp.float32),
    )(hsum, b1.reshape(1, -1), W2, b2.reshape(1, -1))


def kernel(diag_codes, proc_codes, prev_med_codes, W_diag, W_proc, W_med,
           W1, b1, W2, b2):
    f_diag = _fold(W_diag, W1[:EMBED], 5000)
    f_proc = _fold(W_proc, W1[EMBED:2 * EMBED], 5000)
    f_med = _fold(W_med, W1[2 * EMBED:], 1000)
    hsum = _sc_gather_pool(
        diag_codes.reshape(B // 2, PL2),
        proc_codes.reshape(B // 2, PL2),
        prev_med_codes.reshape(B // 2, PL2),
        f_diag, f_proc, f_med)
    return _tc_tail(hsum, b1, W2, b2)

# --- scband reference (transcript-rebuilt; emitter-appended) ---
"""Pipeline reference for scband-neural-net-prescription-history-61538291417849 (READ-ONLY COPY).

The authoritative reference and input builder live on the scoring server;
editing this copy changes nothing except your own understanding.
"""

import jax, jax.numpy as jnp
import numpy as np

DIAG_LEN = 100000
PROC_LEN = 100000
MED_LEN = 1000
EMBED = 128
HIDDEN = 64
B = 4096
L = 50


def setup_inputs(seed: int = 0) -> dict:
    key = jax.random.key(seed)
    k1, k2, k3, k4, k5, k6, k7, k8, k9, k10 = jax.random.split(key, 10)
    diag_codes = jax.random.randint(k1, (B, L), 0, DIAG_LEN, dtype=jnp.int64 if jax.config.jax_enable_x64 else jnp.int32).astype(jnp.int32)
    proc_codes = jax.random.randint(k2, (B, L), 0, PROC_LEN).astype(jnp.int32)
    prev_med_codes = jax.random.randint(k3, (B, L), 0, MED_LEN).astype(jnp.int32)
    W_diag = jax.random.normal(k4, (DIAG_LEN, EMBED), dtype=jnp.float32)
    W_proc = jax.random.normal(k5, (PROC_LEN, EMBED), dtype=jnp.float32)
    W_med = jax.random.normal(k6, (MED_LEN, EMBED), dtype=jnp.float32)
    lim1 = 1.0 / np.sqrt(EMBED * 3)
    W1 = jax.random.uniform(k7, (EMBED * 3, HIDDEN), minval=-lim1, maxval=lim1, dtype=jnp.float32)
    b1 = jax.random.uniform(k8, (HIDDEN,), minval=-lim1, maxval=lim1, dtype=jnp.float32)
    lim2 = 1.0 / np.sqrt(HIDDEN)
    W2 = jax.random.uniform(k9, (HIDDEN, MED_LEN), minval=-lim2, maxval=lim2, dtype=jnp.float32)
    b2 = jax.random.uniform(k10, (MED_LEN,), minval=-lim2, maxval=lim2, dtype=jnp.float32)
    return {
        'diag_codes': diag_codes,
        'proc_codes': proc_codes,
        'prev_med_codes': prev_med_codes,
        'W_diag': W_diag,
        'W_proc': W_proc,
        'W_med': W_med,
        'W1': W1,
        'b1': b1,
        'W2': W2,
        'b2': b2,
    }


def reference(diag_codes, proc_codes, prev_med_codes, W_diag, W_proc, W_med, W1, b1, W2, b2):
    # per-visit embedding lookup + sum over codes within the visit
    embedded_diag = jnp.take(W_diag, diag_codes, axis=0).sum(axis=1)  # [B, 128]
    embedded_proc = jnp.take(W_proc, proc_codes, axis=0).sum(axis=1)  # [B, 128]
    embedded_prev = jnp.take(W_med, prev_med_codes, axis=0).sum(axis=1)  # [B, 128]
    combined = jnp.concatenate([embedded_diag, embedded_proc, embedded_prev], axis=1)  # [B, 384]
    h = jnp.maximum(combined @ W1 + b1, 0.0)
    logits = h @ W2 + b2
    return jax.nn.sigmoid(logits)

if __name__ == "__main__":
    import jax
    _d = setup_inputs()
    print(jax.jit(kernel)(*tuple(_d.values())))

</pallas_src>

<mosaic_0001>
#map = affine_map<(d0, d1) -> (0, 0)>
module attributes {stable_mosaic.version = 14 : i64} {
  func.func @k(%arg0: i32, %arg1: i32, %arg2: memref<2048x100xi32, #tpu.memory_space<hbm>>, %arg3: memref<2048x100xi32, #tpu.memory_space<hbm>>, %arg4: memref<2048x100xi32, #tpu.memory_space<hbm>>, %arg5: memref<100000x64xf32, #tpu.memory_space<hbm>>, %arg6: memref<100000x64xf32, #tpu.memory_space<hbm>>, %arg7: memref<1000x64xf32, #tpu.memory_space<hbm>>, %arg8: memref<4096x64xf32, #tpu.memory_space<hbm>>, %arg9: memref<64x100xi32, #tpu.memory_space<vmem>>, %arg10: memref<64x100xi32, #tpu.memory_space<vmem>>, %arg11: memref<64x100xi32, #tpu.memory_space<vmem>>, %arg12: memref<2x3x100x64xf32, #tpu.memory_space<vmem>>, %arg13: memref<128x64xf32, #tpu.memory_space<vmem>>, %arg14: memref<!tpu.dma_semaphore, #tpu.memory_space<semaphore_mem>>, %arg15: memref<!tpu.dma_semaphore, #tpu.memory_space<semaphore_mem>>) attributes {dimension_semantics = [#tpu.dimension_semantics<core_parallel>, #tpu.dimension_semantics<subcore_parallel>], iteration_bounds = array<i64: 2, 16>, scalar_prefetch = 0 : i64, scratch_operands = 7 : i64, tpu.core_type = #tpu.core_type<sc_vector_subcore>, window_params = [{transform_indices = #map}, {transform_indices = #map}, {transform_indices = #map}, {transform_indices = #map}, {transform_indices = #map}, {transform_indices = #map}, {transform_indices = #map}]} {
    %mul3A = arith.constant 2 : i32
    %mul3A_0 = arith.muli %arg1, %mul3A : i32
    %add3A = arith.addi %mul3A_0, %arg0 : i32
    %mul3A_1 = arith.constant 64 : i32
    %mul3A_2 = arith.muli %add3A, %mul3A_1 : i32
    "tpu.region"() ({
      %run_scoped3A = tpu.sem_alloc : memref<!tpu.dma_semaphore, #tpu.memory_space<semaphore_mem>>
      %dma_start3A_88 = arith.constant 0 : i32
      %dma_start3A_89 = tpu.memref_slice %arg2[%mul3A_2, %dma_start3A_88] : memref<2048x100xi32, #tpu.memory_space<hbm>> -> memref<64x100xi32, #tpu.memory_space<hbm>>
      %dma_start3A_90 = arith.constant 0 : i32
      %dma_start3A_91 = tpu.memref_slice %arg2[%mul3A_2, %dma_start3A_90] : memref<2048x100xi32, #tpu.memory_space<hbm>> -> memref<64x100xi32, #tpu.memory_space<hbm>>
      tpu.enqueue_dma source(%dma_start3A_91 : memref<64x100xi32, #tpu.memory_space<hbm>>) target(%arg9 : memref<64x100xi32, #tpu.memory_space<vmem>>) target_semaphore(%run_scoped3A : memref<!tpu.dma_semaphore, #tpu.memory_space<semaphore_mem>>)
      %dma_wait3A = arith.constant 0 : i32
      %dma_wait3A_92 = tpu.memref_slice %arg2[%mul3A_2, %dma_wait3A] : memref<2048x100xi32, #tpu.memory_space<hbm>> -> memref<64x100xi32, #tpu.memory_space<hbm>>
      %dma_wait3A_93 = arith.constant 0 : i32
      %dma_wait3A_94 = tpu.memref_slice %arg2[%mul3A_2, %dma_wait3A_93] : memref<2048x100xi32, #tpu.memory_space<hbm>> -> memref<64x100xi32, #tpu.memory_space<hbm>>
      tpu.wait_dma2 semaphore(%run_scoped3A : memref<!tpu.dma_semaphore, #tpu.memory_space<semaphore_mem>>) src(%dma_wait3A_94 : memref<64x100xi32, #tpu.memory_space<hbm>>) dst(%arg9 : memref<64x100xi32, #tpu.memory_space<vmem>>)
      tpu.yield
    }) : () -> ()
    "tpu.region"() ({
      %run_scoped3A = tpu.sem_alloc : memref<!tpu.dma_semaphore, #tpu.memory_space<semaphore_mem>>
      %dma_start3A_88 = arith.constant 0 : i32
      %dma_start3A_89 = tpu.memref_slice %arg3[%mul3A_2, %dma_start3A_88] : memref<2048x100xi32, #tpu.memory_space<hbm>> -> memref<64x100xi32, #tpu.memory_space<hbm>>
      %dma_start3A_90 = arith.constant 0 : i32
      %dma_start3A_91 = tpu.memref_slice %arg3[%mul3A_2, %dma_start3A_90] : memref<2048x100xi32, #tpu.memory_space<hbm>> -> memref<64x100xi32, #tpu.memory_space<hbm>>
      tpu.enqueue_dma source(%dma_start3A_91 : memref<64x100xi32, #tpu.memory_space<hbm>>) target(%arg10 : memref<64x100xi32, #tpu.memory_space<vmem>>) target_semaphore(%run_scoped3A : memref<!tpu.dma_semaphore, #tpu.memory_space<semaphore_mem>>)
      %dma_wait3A = arith.constant 0 : i32
      %dma_wait3A_92 = tpu.memref_slice %arg3[%mul3A_2, %dma_wait3A] : memref<2048x100xi32, #tpu.memory_space<hbm>> -> memref<64x100xi32, #tpu.memory_space<hbm>>
      %dma_wait3A_93 = arith.constant 0 : i32
      %dma_wait3A_94 = tpu.memref_slice %arg3[%mul3A_2, %dma_wait3A_93] : memref<2048x100xi32, #tpu.memory_space<hbm>> -> memref<64x100xi32, #tpu.memory_space<hbm>>
      tpu.wait_dma2 semaphore(%run_scoped3A : memref<!tpu.dma_semaphore, #tpu.memory_space<semaphore_mem>>) src(%dma_wait3A_94 : memref<64x100xi32, #tpu.memory_space<hbm>>) dst(%arg10 : memref<64x100xi32, #tpu.memory_space<vmem>>)
      tpu.yield
    }) : () -> ()
    "tpu.region"() ({
      %run_scoped3A = tpu.sem_alloc : memref<!tpu.dma_semaphore, #tpu.memory_space<semaphore_mem>>
      %dma_start3A_88 = arith.constant 0 : i32
      %dma_start3A_89 = tpu.memref_slice %arg4[%mul3A_2, %dma_start3A_88] : memref<2048x100xi32, #tpu.memory_space<hbm>> -> memref<64x100xi32, #tpu.memory_space<hbm>>
      %dma_start3A_90 = arith.constant 0 : i32
      %dma_start3A_91 = tpu.memref_slice %arg4[%mul3A_2, %dma_start3A_90] : memref<2048x100xi32, #tpu.memory_space<hbm>> -> memref<64x100xi32, #tpu.memory_space<hbm>>
      tpu.enqueue_dma source(%dma_start3A_91 : memref<64x100xi32, #tpu.memory_space<hbm>>) target(%arg11 : memref<64x100xi32, #tpu.memory_space<vmem>>) target_semaphore(%run_scoped3A : memref<!tpu.dma_semaphore, #tpu.memory_space<semaphore_mem>>)
      %dma_wait3A = arith.constant 0 : i32
      %dma_wait3A_92 = tpu.memref_slice %arg4[%mul3A_2, %dma_wait3A] : memref<2048x100xi32, #tpu.memory_space<hbm>> -> memref<64x100xi32, #tpu.memory_space<hbm>>
      %dma_wait3A_93 = arith.constant 0 : i32
      %dma_wait3A_94 = tpu.memref_slice %arg4[%mul3A_2, %dma_wait3A_93] : memref<2048x100xi32, #tpu.memory_space<hbm>> -> memref<64x100xi32, #tpu.memory_space<hbm>>
      tpu.wait_dma2 semaphore(%run_scoped3A : memref<!tpu.dma_semaphore, #tpu.memory_space<semaphore_mem>>) src(%dma_wait3A_94 : memref<64x100xi32, #tpu.memory_space<hbm>>) dst(%arg11 : memref<64x100xi32, #tpu.memory_space<vmem>>)
      tpu.yield
    }) : () -> ()
    %dma_start3A = arith.constant 0 : i32
    %dma_start3A_3 = arith.constant 0 : i32
    %dma_start3A_4 = arith.constant 0 : i32
    %dma_start3A_5 = arith.constant 0 : i32
    %dma_start3A_6 = arith.constant 0 : i32
    %dma_start3A_7 = tpu.memref_slice %arg12[%dma_start3A_3, %dma_start3A_4, %dma_start3A_5, %dma_start3A_6] : memref<2x3x100x64xf32, #tpu.memory_space<vmem>> -> memref<1x1x100x64xf32, #tpu.memory_space<vmem>>
    %dma_start3A_8 = tpu.memref_squeeze %dma_start3A_7 : memref<1x1x100x64xf32, #tpu.memory_space<vmem>> -> memref<100x64xf32, #tpu.memory_space<vmem>>
    %dma_start3A_9 = arith.constant 0 : i32
    %dma_start3A_10 = tpu.memref_slice %arg9[%dma_start3A, %dma_start3A_9] : memref<64x100xi32, #tpu.memory_space<vmem>> -> memref<1x100xi32, #tpu.memory_space<vmem>>
    %dma_start3A_11 = tpu.memref_squeeze %dma_start3A_10 : memref<1x100xi32, #tpu.memory_space<vmem>> -> memref<100xi32, #tpu.memory_space<vmem>>
    %dma_start3A_12 = arith.constant 0 : i32
    %dma_start3A_13 = arith.constant 0 : i32
    %dma_start3A_14 = tpu.memref_slice %arg5[%dma_start3A_12, %dma_start3A_13] : memref<100000x64xf32, #tpu.memory_space<hbm>> -> memref<100000x64xf32, #tpu.memory_space<hbm>>
    tpu.enqueue_indirect_dma source(%dma_start3A_14 : memref<100000x64xf32, #tpu.memory_space<hbm>>) target(%dma_start3A_8 : memref<100x64xf32, #tpu.memory_space<vmem>>) offsets(%dma_start3A_11 : memref<100xi32, #tpu.memory_space<vmem>>) semaphore(%arg14 : memref<!tpu.dma_semaphore, #tpu.memory_space<semaphore_mem>>)
    %dma_start3A_15 = arith.constant 0 : i32
    %dma_start3A_16 = arith.constant 0 : i32
    %dma_start3A_17 = arith.constant 1 : i32
    %dma_start3A_18 = arith.constant 0 : i32
    %dma_start3A_19 = arith.constant 0 : i32
    %dma_start3A_20 = tpu.memref_slice %arg12[%dma_start3A_16, %dma_start3A_17, %dma_start3A_18, %dma_start3A_19] : memref<2x3x100x64xf32, #tpu.memory_space<vmem>> -> memref<1x1x100x64xf32, #tpu.memory_space<vmem>>
    %dma_start3A_21 = tpu.memref_squeeze %dma_start3A_20 : memref<1x1x100x64xf32, #tpu.memory_space<vmem>> -> memref<100x64xf32, #tpu.memory_space<vmem>>
    %dma_start3A_22 = arith.constant 0 : i32
    %dma_start3A_23 = tpu.memref_slice %arg10[%dma_start3A_15, %dma_start3A_22] : memref<64x100xi32, #tpu.memory_space<vmem>> -> memref<1x100xi32, #tpu.memory_space<vmem>>
    %dma_start3A_24 = tpu.memref_squeeze %dma_start3A_23 : memref<1x100xi32, #tpu.memory_space<vmem>> -> memref<100xi32, #tpu.memory_space<vmem>>
    %dma_start3A_25 = arith.constant 0 : i32
    %dma_start3A_26 = arith.constant 0 : i32
    %dma_start3A_27 = tpu.memref_slice %arg6[%dma_start3A_25, %dma_start3A_26] : memref<100000x64xf32, #tpu.memory_space<hbm>> -> memref<100000x64xf32, #tpu.memory_space<hbm>>
    tpu.enqueue_indirect_dma source(%dma_start3A_27 : memref<100000x64xf32, #tpu.memory_space<hbm>>) target(%dma_start3A_21 : memref<100x64xf32, #tpu.memory_space<vmem>>) offsets(%dma_start3A_24 : memref<100xi32, #tpu.memory_space<vmem>>) semaphore(%arg14 : memref<!tpu.dma_semaphore, #tpu.memory_space<semaphore_mem>>)
    %dma_start3A_28 = arith.constant 0 : i32
    %dma_start3A_29 = arith.constant 0 : i32
    %dma_start3A_30 = arith.constant 2 : i32
    %dma_start3A_31 = arith.constant 0 : i32
    %dma_start3A_32 = arith.constant 0 : i32
    %dma_start3A_33 = tpu.memref_slice %arg12[%dma_start3A_29, %dma_start3A_30, %dma_start3A_31, %dma_start3A_32] : memref<2x3x100x64xf32, #tpu.memory_space<vmem>> -> memref<1x1x100x64xf32, #tpu.memory_space<vmem>>
    %dma_start3A_34 = tpu.memref_squeeze %dma_start3A_33 : memref<1x1x100x64xf32, #tpu.memory_space<vmem>> -> memref<100x64xf32, #tpu.memory_space<vmem>>
    %dma_start3A_35 = arith.constant 0 : i32
    %dma_start3A_36 = tpu.memref_slice %arg11[%dma_start3A_28, %dma_start3A_35] : memref<64x100xi32, #tpu.memory_space<vmem>> -> memref<1x100xi32, #tpu.memory_space<vmem>>
    %dma_start3A_37 = tpu.memref_squeeze %dma_start3A_36 : memref<1x100xi32, #tpu.memory_space<vmem>> -> memref<100xi32, #tpu.memory_space<vmem>>
    %dma_start3A_38 = arith.constant 0 : i32
    %dma_start3A_39 = arith.constant 0 : i32
    %dma_start3A_40 = tpu.memref_slice %arg7[%dma_start3A_38, %dma_start3A_39] : memref<1000x64xf32, #tpu.memory_space<hbm>> -> memref<1000x64xf32, #tpu.memory_space<hbm>>
    tpu.enqueue_indirect_dma source(%dma_start3A_40 : memref<1000x64xf32, #tpu.memory_space<hbm>>) target(%dma_start3A_34 : memref<100x64xf32, #tpu.memory_space<vmem>>) offsets(%dma_start3A_37 : memref<100xi32, #tpu.memory_space<vmem>>) semaphore(%arg14 : memref<!tpu.dma_semaphore, #tpu.memory_space<semaphore_mem>>)
    %dma_start3A_41 = arith.constant 1 : i32
    %dma_start3A_42 = arith.constant 1 : i32
    %dma_start3A_43 = arith.constant 0 : i32
    %dma_start3A_44 = arith.constant 0 : i32
    %dma_start3A_45 = arith.constant 0 : i32
    %dma_start3A_46 = tpu.memref_slice %arg12[%dma_start3A_42, %dma_start3A_43, %dma_start3A_44, %dma_start3A_45] : memref<2x3x100x64xf32, #tpu.memory_space<vmem>> -> memref<1x1x100x64xf32, #tpu.memory_space<vmem>>
    %dma_start3A_47 = tpu.memref_squeeze %dma_start3A_46 : memref<1x1x100x64xf32, #tpu.memory_space<vmem>> -> memref<100x64xf32, #tpu.memory_space<vmem>>
    %dma_start3A_48 = arith.constant 0 : i32
    %dma_start3A_49 = tpu.memref_slice %arg9[%dma_start3A_41, %dma_start3A_48] : memref<64x100xi32, #tpu.memory_space<vmem>> -> memref<1x100xi32, #tpu.memory_space<vmem>>
    %dma_start3A_50 = tpu.memref_squeeze %dma_start3A_49 : memref<1x100xi32, #tpu.memory_space<vmem>> -> memref<100xi32, #tpu.memory_space<vmem>>
    %dma_start3A_51 = arith.constant 0 : i32
    %dma_start3A_52 = arith.constant 0 : i32
    %dma_start3A_53 = tpu.memref_slice %arg5[%dma_start3A_51, %dma_start3A_52] : memref<100000x64xf32, #tpu.memory_space<hbm>> -> memref<100000x64xf32, #tpu.memory_space<hbm>>
    tpu.enqueue_indirect_dma source(%dma_start3A_53 : memref<100000x64xf32, #tpu.memory_space<hbm>>) target(%dma_start3A_47 : memref<100x64xf32, #tpu.memory_space<vmem>>) offsets(%dma_start3A_50 : memref<100xi32, #tpu.memory_space<vmem>>) semaphore(%arg15 : memref<!tpu.dma_semaphore, #tpu.memory_space<semaphore_mem>>)
    %dma_start3A_54 = arith.constant 1 : i32
    %dma_start3A_55 = arith.constant 1 : i32
    %dma_start3A_56 = arith.constant 1 : i32
    %dma_start3A_57 = arith.constant 0 : i32
    %dma_start3A_58 = arith.constant 0 : i32
    %dma_start3A_59 = tpu.memref_slice %arg12[%dma_start3A_55, %dma_start3A_56, %dma_start3A_57, %dma_start3A_58] : memref<2x3x100x64xf32, #tpu.memory_space<vmem>> -> memref<1x1x100x64xf32, #tpu.memory_space<vmem>>
    %dma_start3A_60 = tpu.memref_squeeze %dma_start3A_59 : memref<1x1x100x64xf32, #tpu.memory_space<vmem>> -> memref<100x64xf32, #tpu.memory_space<vmem>>
    %dma_start3A_61 = arith.constant 0 : i32
    %dma_start3A_62 = tpu.memref_slice %arg10[%dma_start3A_54, %dma_start3A_61] : memref<64x100xi32, #tpu.memory_space<vmem>> -> memref<1x100xi32, #tpu.memory_space<vmem>>
    %dma_start3A_63 = tpu.memref_squeeze %dma_start3A_62 : memref<1x100xi32, #tpu.memory_space<vmem>> -> memref<100xi32, #tpu.memory_space<vmem>>
    %dma_start3A_64 = arith.constant 0 : i32
    %dma_start3A_65 = arith.constant 0 : i32
    %dma_start3A_66 = tpu.memref_slice %arg6[%dma_start3A_64, %dma_start3A_65] : memref<100000x64xf32, #tpu.memory_space<hbm>> -> memref<100000x64xf32, #tpu.memory_space<hbm>>
    tpu.enqueue_indirect_dma source(%dma_start3A_66 : memref<100000x64xf32, #tpu.memory_space<hbm>>) target(%dma_start3A_60 : memref<100x64xf32, #tpu.memory_space<vmem>>) offsets(%dma_start3A_63 : memref<100xi32, #tpu.memory_space<vmem>>) semaphore(%arg15 : memref<!tpu.dma_semaphore, #tpu.memory_space<semaphore_mem>>)
    %dma_start3A_67 = arith.constant 1 : i32
    %dma_start3A_68 = arith.constant 1 : i32
    %dma_start3A_69 = arith.constant 2 : i32
    %dma_start3A_70 = arith.constant 0 : i32
    %dma_start3A_71 = arith.constant 0 : i32
    %dma_start3A_72 = tpu.memref_slice %arg12[%dma_start3A_68, %dma_start3A_69, %dma_start3A_70, %dma_start3A_71] : memref<2x3x100x64xf32, #tpu.memory_space<vmem>> -> memref<1x1x100x64xf32, #tpu.memory_space<vmem>>
    %dma_start3A_73 = tpu.memref_squeeze %dma_start3A_72 : memref<1x1x100x64xf32, #tpu.memory_space<vmem>> -> memref<100x64xf32, #tpu.memory_space<vmem>>
    %dma_start3A_74 = arith.constant 0 : i32
    %dma_start3A_75 = tpu.memref_slice %arg11[%dma_start3A_67, %dma_start3A_74] : memref<64x100xi32, #tpu.memory_space<vmem>> -> memref<1x100xi32, #tpu.memory_space<vmem>>
    %dma_start3A_76 = tpu.memref_squeeze %dma_start3A_75 : memref<1x100xi32, #tpu.memory_space<vmem>> -> memref<100xi32, #tpu.memory_space<vmem>>
    %dma_start3A_77 = arith.constant 0 : i32
    %dma_start3A_78 = arith.constant 0 : i32
    %dma_start3A_79 = tpu.memref_slice %arg7[%dma_start3A_77, %dma_start3A_78] : memref<1000x64xf32, #tpu.memory_space<hbm>> -> memref<1000x64xf32, #tpu.memory_space<hbm>>
    tpu.enqueue_indirect_dma source(%dma_start3A_79 : memref<1000x64xf32, #tpu.memory_space<hbm>>) target(%dma_start3A_73 : memref<100x64xf32, #tpu.memory_space<vmem>>) offsets(%dma_start3A_76 : memref<100xi32, #tpu.memory_space<vmem>>) semaphore(%arg15 : memref<!tpu.dma_semaphore, #tpu.memory_space<semaphore_mem>>)
    %scan3A = arith.constant 0 : i32
    %scan3A_80 = arith.constant 0 : i32
    %scan3A_81 = arith.constant 32 : i32
    %scan3A_82 = arith.addi %scan3A_80, %scan3A_81 : i32
    %scan3A_83 = arith.constant 1 : i32
    %scan3A_84 = scf.for %scan3A_88 = %scan3A_80 to %scan3A_82 step %scan3A_83 iter_args(%scan3A_89 = %scan3A) -> (i32)  : i32 {
      %mul3A_90 = arith.constant 2 : i32
      %mul3A_91 = arith.muli %scan3A_88, %mul3A_90 : i32
      %add3A_92 = arith.constant 0 : i32
      %add3A_93 = arith.addi %mul3A_91, %add3A_92 : i32
      %dma_wait3A = arith.constant 0 : i32
      %dma_wait3A_94 = arith.constant 0 : i32
      %dma_wait3A_95 = arith.constant 0 : i32
      %dma_wait3A_96 = arith.constant 0 : i32
      %dma_wait3A_97 = arith.constant 0 : i32
      %dma_wait3A_98 = tpu.memref_slice %arg12[%dma_wait3A_94, %dma_wait3A_95, %dma_wait3A_96, %dma_wait3A_97] : memref<2x3x100x64xf32, #tpu.memory_space<vmem>> -> memref<1x1x100x64xf32, #tpu.memory_space<vmem>>
      %dma_wait3A_99 = tpu.memref_squeeze %dma_wait3A_98 : memref<1x1x100x64xf32, #tpu.memory_space<vmem>> -> memref<100x64xf32, #tpu.memory_space<vmem>>
      %dma_wait3A_100 = arith.constant 0 : i32
      %dma_wait3A_101 = tpu.memref_slice %arg9[%dma_wait3A, %dma_wait3A_100] : memref<64x100xi32, #tpu.memory_space<vmem>> -> memref<1x100xi32, #tpu.memory_space<vmem>>
      %dma_wait3A_102 = tpu.memref_squeeze %dma_wait3A_101 : memref<1x100xi32, #tpu.memory_space<vmem>> -> memref<100xi32, #tpu.memory_space<vmem>>
      %dma_wait3A_103 = arith.constant 0 : i32
      %dma_wait3A_104 = arith.constant 0 : i32
      %dma_wait3A_105 = tpu.memref_slice %arg5[%dma_wait3A_103, %dma_wait3A_104] : memref<100000x64xf32, #tpu.memory_space<hbm>> -> memref<100000x64xf32, #tpu.memory_space<hbm>>
      tpu.wait_indirect_dma semaphore(%arg14 : memref<!tpu.dma_semaphore, #tpu.memory_space<semaphore_mem>>) src(%dma_wait3A_105 : memref<100000x64xf32, #tpu.memory_space<hbm>>) dst(%dma_wait3A_99 : memref<100x64xf32, #tpu.memory_space<vmem>>)
      %dma_wait3A_106 = arith.constant 0 : i32
      %dma_wait3A_107 = arith.constant 0 : i32
      %dma_wait3A_108 = arith.constant 1 : i32
      %dma_wait3A_109 = arith.constant 0 : i32
      %dma_wait3A_110 = arith.constant 0 : i32
      %dma_wait3A_111 = tpu.memref_slice %arg12[%dma_wait3A_107, %dma_wait3A_108, %dma_wait3A_109, %dma_wait3A_110] : memref<2x3x100x64xf32, #tpu.memory_space<vmem>> -> memref<1x1x100x64xf32, #tpu.memory_space<vmem>>
      %dma_wait3A_112 = tpu.memref_squeeze %dma_wait3A_111 : memref<1x1x100x64xf32, #tpu.memory_space<vmem>> -> memref<100x64xf32, #tpu.memory_space<vmem>>
      %dma_wait3A_113 = arith.constant 0 : i32
      %dma_wait3A_114 = tpu.memref_slice %arg10[%dma_wait3A_106, %dma_wait3A_113] : memref<64x100xi32, #tpu.memory_space<vmem>> -> memref<1x100xi32, #tpu.memory_space<vmem>>
      %dma_wait3A_115 = tpu.memref_squeeze %dma_wait3A_114 : memref<1x100xi32, #tpu.memory_space<vmem>> -> memref<100xi32, #tpu.memory_space<vmem>>
      %dma_wait3A_116 = arith.constant 0 : i32
      %dma_wait3A_117 = arith.constant 0 : i32
      %dma_wait3A_118 = tpu.memref_slice %arg6[%dma_wait3A_116, %dma_wait3A_117] : memref<100000x64xf32, #tpu.memory_space<hbm>> -> memref<100000x64xf32, #tpu.memory_space<hbm>>
      tpu.wait_indirect_dma semaphore(%arg14 : memref<!tpu.dma_semaphore, #tpu.memory_space<semaphore_mem>>) src(%dma_wait3A_118 : memref<100000x64xf32, #tpu.memory_space<hbm>>) dst(%dma_wait3A_112 : memref<100x64xf32, #tpu.memory_space<vmem>>)
      %dma_wait3A_119 = arith.constant 0 : i32
      %dma_wait3A_120 = arith.constant 0 : i32
      %dma_wait3A_121 = arith.constant 2 : i32
      %dma_wait3A_122 = arith.constant 0 : i32
      %dma_wait3A_123 = arith.constant 0 : i32
      %dma_wait3A_124 = tpu.memref_slice %arg12[%dma_wait3A_120, %dma_wait3A_121, %dma_wait3A_122, %dma_wait3A_123] : memref<2x3x100x64xf32, #tpu.memory_space<vmem>> -> memref<1x1x100x64xf32, #tpu.memory_space<vmem>>
      %dma_wait3A_125 = tpu.memref_squeeze %dma_wait3A_124 : memref<1x1x100x64xf32, #tpu.memory_space<vmem>> -> memref<100x64xf32, #tpu.memory_space<vmem>>
      %dma_wait3A_126 = arith.constant 0 : i32
      %dma_wait3A_127 = tpu.memref_slice %arg11[%dma_wait3A_119, %dma_wait3A_126] : memref<64x100xi32, #tpu.memory_space<vmem>> -> memref<1x100xi32, #tpu.memory_space<vmem>>
      %dma_wait3A_128 = tpu.memref_squeeze %dma_wait3A_127 : memref<1x100xi32, #tpu.memory_space<vmem>> -> memref<100xi32, #tpu.memory_space<vmem>>
      %dma_wait3A_129 = arith.constant 0 : i32
      %dma_wait3A_130 = arith.constant 0 : i32
      %dma_wait3A_131 = tpu.memref_slice %arg7[%dma_wait3A_129, %dma_wait3A_130] : memref<1000x64xf32, #tpu.memory_space<hbm>> -> memref<1000x64xf32, #tpu.memory_space<hbm>>
      tpu.wait_indirect_dma semaphore(%arg14 : memref<!tpu.dma_semaphore, #tpu.memory_space<semaphore_mem>>) src(%dma_wait3A_131 : memref<1000x64xf32, #tpu.memory_space<hbm>>) dst(%dma_wait3A_125 : memref<100x64xf32, #tpu.memory_space<vmem>>)
      %broadcast_in_dim3A = arith.constant 0.000000e+00 : f32
      %broadcast_in_dim3A_132 = vector.broadcast %broadcast_in_dim3A : f32 to vector<16xf32>
      %broadcast_in_dim3A_133 = arith.constant 0.000000e+00 : f32
      %broadcast_in_dim3A_134 = vector.broadcast %broadcast_in_dim3A_133 : f32 to vector<16xf32>
      %broadcast_in_dim3A_135 = arith.constant 0.000000e+00 : f32
      %broadcast_in_dim3A_136 = vector.broadcast %broadcast_in_dim3A_135 : f32 to vector<16xf32>
      %broadcast_in_dim3A_137 = arith.constant 0.000000e+00 : f32
      %broadcast_in_dim3A_138 = vector.broadcast %broadcast_in_dim3A_137 : f32 to vector<16xf32>
      %broadcast_in_dim3A_139 = arith.constant 0.000000e+00 : f32
      %broadcast_in_dim3A_140 = vector.broadcast %broadcast_in_dim3A_139 : f32 to vector<16xf32>
      %broadcast_in_dim3A_141 = arith.constant 0.000000e+00 : f32
      %broadcast_in_dim3A_142 = vector.broadcast %broadcast_in_dim3A_141 : f32 to vector<16xf32>
      %broadcast_in_dim3A_143 = arith.constant 0.000000e+00 : f32
      %broadcast_in_dim3A_144 = vector.broadcast %broadcast_in_dim3A_143 : f32 to vector<16xf32>
      %broadcast_in_dim3A_145 = arith.constant 0.000000e+00 : f32
      %broadcast_in_dim3A_146 = vector.broadcast %broadcast_in_dim3A_145 : f32 to vector<16xf32>
      %scan3A_147 = arith.constant 0 : i32
      %scan3A_148 = arith.constant 50 : i32
      %scan3A_149 = arith.addi %scan3A_147, %scan3A_148 : i32
      %scan3A_150 = arith.constant 1 : i32
      %scan3A_151:8 = scf.for %scan3A_357 = %scan3A_147 to %scan3A_149 step %scan3A_150 iter_args(%scan3A_358 = %broadcast_in_dim3A_132, %scan3A_359 = %broadcast_in_dim3A_134, %scan3A_360 = %broadcast_in_dim3A_136, %scan3A_361 = %broadcast_in_dim3A_138, %scan3A_362 = %broadcast_in_dim3A_140, %scan3A_363 = %broadcast_in_dim3A_142, %scan3A_364 = %broadcast_in_dim3A_144, %scan3A_365 = %broadcast_in_dim3A_146) -> (vector<16xf32>, vector<16xf32>, vector<16xf32>, vector<16xf32>, vector<16xf32>, vector<16xf32>, vector<16xf32>, vector<16xf32>)  : i32 {
        %get3A = arith.constant 0 : i32
        %get3A_366 = arith.constant 0 : i32
        %get3A_367 = arith.index_cast %get3A : i32 to index
        %get3A_368 = arith.index_cast %get3A_366 : i32 to index
        %get3A_369 = arith.index_cast %scan3A_357 : i32 to index
        %get3A_370 = arith.constant 0 : index
        %get3A_371 = tpu.vector_load %arg12[%get3A_367, %get3A_368, %get3A_369, %get3A_370] {strides = array<i32>} : memref<2x3x100x64xf32, #tpu.memory_space<vmem>>, vector<1x1x1x16xf32>,
        %get3A_372 = vector.shape_cast %get3A_371 : vector<1x1x1x16xf32> to vector<16xf32>
        %add3A_373 = arith.addf %scan3A_358, %get3A_372 : vector<16xf32>
        %add3A_374 = arith.constant 50 : i32
        %add3A_375 = arith.addi %add3A_374, %scan3A_357 : i32
        %get3A_376 = arith.constant 0 : i32
        %get3A_377 = arith.constant 0 : i32
        %get3A_378 = arith.index_cast %get3A_376 : i32 to index
        %get3A_379 = arith.index_cast %get3A_377 : i32 to index
        %get3A_380 = arith.index_cast %add3A_375 : i32 to index
        %get3A_381 = arith.constant 0 : index
        %get3A_382 = tpu.vector_load %arg12[%get3A_378, %get3A_379, %get3A_380, %get3A_381] {strides = array<i32>} : memref<2x3x100x64xf32, #tpu.memory_space<vmem>>, vector<1x1x1x16xf32>,
        %get3A_383 = vector.shape_cast %get3A_382 : vector<1x1x1x16xf32> to vector<16xf32>
        %add3A_384 = arith.addf %scan3A_362, %get3A_383 : vector<16xf32>
        %get3A_385 = arith.constant 0 : i32
        %get3A_386 = arith.constant 0 : i32
        %get3A_387 = arith.index_cast %get3A_385 : i32 to index
        %get3A_388 = arith.index_cast %get3A_386 : i32 to index
        %get3A_389 = arith.index_cast %scan3A_357 : i32 to index
        %get3A_390 = arith.constant 16 : index
        %get3A_391 = tpu.vector_load %arg12[%get3A_387, %get3A_388, %get3A_389, %get3A_390] {strides = array<i32>} : memref<2x3x100x64xf32, #tpu.memory_space<vmem>>, vector<1x1x1x16xf32>,
        %get3A_392 = vector.shape_cast %get3A_391 : vector<1x1x1x16xf32> to vector<16xf32>
        %add3A_393 = arith.addf %scan3A_359, %get3A_392 : vector<16xf32>
        %add3A_394 = arith.constant 50 : i32
        %add3A_395 = arith.addi %add3A_394, %scan3A_357 : i32
        %get3A_396 = arith.constant 0 : i32
        %get3A_397 = arith.constant 0 : i32
        %get3A_398 = arith.index_cast %get3A_396 : i32 to index
        %get3A_399 = arith.index_cast %get3A_397 : i32 to index
        %get3A_400 = arith.index_cast %add3A_395 : i32 to index
        %get3A_401 = arith.constant 16 : index
        %get3A_402 = tpu.vector_load %arg12[%get3A_398, %get3A_399, %get3A_400, %get3A_401] {strides = array<i32>} : memref<2x3x100x64xf32, #tpu.memory_space<vmem>>, vector<1x1x1x16xf32>,
        %get3A_403 = vector.shape_cast %get3A_402 : vector<1x1x1x16xf32> to vector<16xf32>
        %add3A_404 = arith.addf %scan3A_363, %get3A_403 : vector<16xf32>
        %get3A_405 = arith.constant 0 : i32
        %get3A_406 = arith.constant 0 : i32
        %get3A_407 = arith.index_cast %get3A_405 : i32 to index
        %get3A_408 = arith.index_cast %get3A_406 : i32 to index
        %get3A_409 = arith.index_cast %scan3A_357 : i32 to index
        %get3A_410 = arith.constant 32 : index
        %get3A_411 = tpu.vector_load %arg12[%get3A_407, %get3A_408, %get3A_409, %get3A_410] {strides = array<i32>} : memref<2x3x100x64xf32, #tpu.memory_space<vmem>>, vector<1x1x1x16xf32>,
        %get3A_412 = vector.shape_cast %get3A_411 : vector<1x1x1x16xf32> to vector<16xf32>
        %add3A_413 = arith.addf %scan3A_360, %get3A_412 : vector<16xf32>
        %add3A_414 = arith.constant 50 : i32
        %add3A_415 = arith.addi %add3A_414, %scan3A_357 : i32
        %get3A_416 = arith.constant 0 : i32
        %get3A_417 = arith.constant 0 : i32
        %get3A_418 = arith.index_cast %get3A_416 : i32 to index
        %get3A_419 = arith.index_cast %get3A_417 : i32 to index
        %get3A_420 = arith.index_cast %add3A_415 : i32 to index
        %get3A_421 = arith.constant 32 : index
        %get3A_422 = tpu.vector_load %arg12[%get3A_418, %get3A_419, %get3A_420, %get3A_421] {strides = array<i32>} : memref<2x3x100x64xf32, #tpu.memory_space<vmem>>, vector<1x1x1x16xf32>,
        %get3A_423 = vector.shape_cast %get3A_422 : vector<1x1x1x16xf32> to vector<16xf32>
        %add3A_424 = arith.addf %scan3A_364, %get3A_423 : vector<16xf32>
        %get3A_425 = arith.constant 0 : i32
        %get3A_426 = arith.constant 0 : i32
        %get3A_427 = arith.index_cast %get3A_425 : i32 to index
        %get3A_428 = arith.index_cast %get3A_426 : i32 to index
        %get3A_429 = arith.index_cast %scan3A_357 : i32 to index
        %get3A_430 = arith.constant 48 : index
        %get3A_431 = tpu.vector_load %arg12[%get3A_427, %get3A_428, %get3A_429, %get3A_430] {strides = array<i32>} : memref<2x3x100x64xf32, #tpu.memory_space<vmem>>, vector<1x1x1x16xf32>,
        %get3A_432 = vector.shape_cast %get3A_431 : vector<1x1x1x16xf32> to vector<16xf32>
        %add3A_433 = arith.addf %scan3A_361, %get3A_432 : vector<16xf32>
        %add3A_434 = arith.constant 50 : i32
        %add3A_435 = arith.addi %add3A_434, %scan3A_357 : i32
        %get3A_436 = arith.constant 0 : i32
        %get3A_437 = arith.constant 0 : i32
        %get3A_438 = arith.index_cast %get3A_436 : i32 to index
        %get3A_439 = arith.index_cast %get3A_437 : i32 to index
        %get3A_440 = arith.index_cast %add3A_435 : i32 to index
        %get3A_441 = arith.constant 48 : index
        %get3A_442 = tpu.vector_load %arg12[%get3A_438, %get3A_439, %get3A_440, %get3A_441] {strides = array<i32>} : memref<2x3x100x64xf32, #tpu.memory_space<vmem>>, vector<1x1x1x16xf32>,
        %get3A_443 = vector.shape_cast %get3A_442 : vector<1x1x1x16xf32> to vector<16xf32>
        %add3A_444 = arith.addf %scan3A_365, %get3A_443 : vector<16xf32>
        %get3A_445 = arith.constant 0 : i32
        %get3A_446 = arith.constant 1 : i32
        %get3A_447 = arith.index_cast %get3A_445 : i32 to index
        %get3A_448 = arith.index_cast %get3A_446 : i32 to index
        %get3A_449 = arith.index_cast %scan3A_357 : i32 to index
        %get3A_450 = arith.constant 0 : index
        %get3A_451 = tpu.vector_load %arg12[%get3A_447, %get3A_448, %get3A_449, %get3A_450] {strides = array<i32>} : memref<2x3x100x64xf32, #tpu.memory_space<vmem>>, vector<1x1x1x16xf32>,
        %get3A_452 = vector.shape_cast %get3A_451 : vector<1x1x1x16xf32> to vector<16xf32>
        %add3A_453 = arith.addf %add3A_373, %get3A_452 : vector<16xf32>
        %add3A_454 = arith.constant 50 : i32
        %add3A_455 = arith.addi %add3A_454, %scan3A_357 : i32
        %get3A_456 = arith.constant 0 : i32
        %get3A_457 = arith.constant 1 : i32
        %get3A_458 = arith.index_cast %get3A_456 : i32 to index
        %get3A_459 = arith.index_cast %get3A_457 : i32 to index
        %get3A_460 = arith.index_cast %add3A_455 : i32 to index
        %get3A_461 = arith.constant 0 : index
        %get3A_462 = tpu.vector_load %arg12[%get3A_458, %get3A_459, %get3A_460, %get3A_461] {strides = array<i32>} : memref<2x3x100x64xf32, #tpu.memory_space<vmem>>, vector<1x1x1x16xf32>,
        %get3A_463 = vector.shape_cast %get3A_462 : vector<1x1x1x16xf32> to vector<16xf32>
        %add3A_464 = arith.addf %add3A_384, %get3A_463 : vector<16xf32>
        %get3A_465 = arith.constant 0 : i32
        %get3A_466 = arith.constant 1 : i32
        %get3A_467 = arith.index_cast %get3A_465 : i32 to index
        %get3A_468 = arith.index_cast %get3A_466 : i32 to index
        %get3A_469 = arith.index_cast %scan3A_357 : i32 to index
        %get3A_470 = arith.constant 16 : index
        %get3A_471 = tpu.vector_load %arg12[%get3A_467, %get3A_468, %get3A_469, %get3A_470] {strides = array<i32>} : memref<2x3x100x64xf32, #tpu.memory_space<vmem>>, vector<1x1x1x16xf32>,
        %get3A_472 = vector.shape_cast %get3A_471 : vector<1x1x1x16xf32> to vector<16xf32>
        %add3A_473 = arith.addf %add3A_393, %get3A_472 : vector<16xf32>
        %add3A_474 = arith.constant 50 : i32
        %add3A_475 = arith.addi %add3A_474, %scan3A_357 : i32
        %get3A_476 = arith.constant 0 : i32
        %get3A_477 = arith.constant 1 : i32
        %get3A_478 = arith.index_cast %get3A_476 : i32 to index
        %get3A_479 = arith.index_cast %get3A_477 : i32 to index
        %get3A_480 = arith.index_cast %add3A_475 : i32 to index
        %get3A_481 = arith.constant 16 : index
        %get3A_482 = tpu.vector_load %arg12[%get3A_478, %get3A_479, %get3A_480, %get3A_481] {strides = array<i32>} : memref<2x3x100x64xf32, #tpu.memory_space<vmem>>, vector<1x1x1x16xf32>,
        %get3A_483 = vector.shape_cast %get3A_482 : vector<1x1x1x16xf32> to vector<16xf32>
        %add3A_484 = arith.addf %add3A_404, %get3A_483 : vector<16xf32>
        %get3A_485 = arith.constant 0 : i32
        %get3A_486 = arith.constant 1 : i32
        %get3A_487 = arith.index_cast %get3A_485 : i32 to index
        %get3A_488 = arith.index_cast %get3A_486 : i32 to index
        %get3A_489 = arith.index_cast %scan3A_357 : i32 to index
        %get3A_490 = arith.constant 32 : index
        %get3A_491 = tpu.vector_load %arg12[%get3A_487, %get3A_488, %get3A_489, %get3A_490] {strides = array<i32>} : memref<2x3x100x64xf32, #tpu.memory_space<vmem>>, vector<1x1x1x16xf32>,
        %get3A_492 = vector.shape_cast %get3A_491 : vector<1x1x1x16xf32> to vector<16xf32>
        %add3A_493 = arith.addf %add3A_413, %get3A_492 : vector<16xf32>
        %add3A_494 = arith.constant 50 : i32
        %add3A_495 = arith.addi %add3A_494, %scan3A_357 : i32
        %get3A_496 = arith.constant 0 : i32
        %get3A_497 = arith.constant 1 : i32
        %get3A_498 = arith.index_cast %get3A_496 : i32 to index
        %get3A_499 = arith.index_cast %get3A_497 : i32 to index
        %get3A_500 = arith.index_cast %add3A_495 : i32 to index
        %get3A_501 = arith.constant 32 : index
        %get3A_502 = tpu.vector_load %arg12[%get3A_498, %get3A_499, %get3A_500, %get3A_501] {strides = array<i32>} : memref<2x3x100x64xf32, #tpu.memory_space<vmem>>, vector<1x1x1x16xf32>,
        %get3A_503 = vector.shape_cast %get3A_502 : vector<1x1x1x16xf32> to vector<16xf32>
        %add3A_504 = arith.addf %add3A_424, %get3A_503 : vector<16xf32>
        %get3A_505 = arith.constant 0 : i32
        %get3A_506 = arith.constant 1 : i32
        %get3A_507 = arith.index_cast %get3A_505 : i32 to index
        %get3A_508 = arith.index_cast %get3A_506 : i32 to index
        %get3A_509 = arith.index_cast %scan3A_357 : i32 to index
        %get3A_510 = arith.constant 48 : index
        %get3A_511 = tpu.vector_load %arg12[%get3A_507, %get3A_508, %get3A_509, %get3A_510] {strides = array<i32>} : memref<2x3x100x64xf32, #tpu.memory_space<vmem>>, vector<1x1x1x16xf32>,
        %get3A_512 = vector.shape_cast %get3A_511 : vector<1x1x1x16xf32> to vector<16xf32>
        %add3A_513 = arith.addf %add3A_433, %get3A_512 : vector<16xf32>
        %add3A_514 = arith.constant 50 : i32
        %add3A_515 = arith.addi %add3A_514, %scan3A_357 : i32
        %get3A_516 = arith.constant 0 : i32
        %get3A_517 = arith.constant 1 : i32
        %get3A_518 = arith.index_cast %get3A_516 : i32 to index
        %get3A_519 = arith.index_cast %get3A_517 : i32 to index
        %get3A_520 = arith.index_cast %add3A_515 : i32 to index
        %get3A_521 = arith.constant 48 : index
        %get3A_522 = tpu.vector_load %arg12[%get3A_518, %get3A_519, %get3A_520, %get3A_521] {strides = array<i32>} : memref<2x3x100x64xf32, #tpu.memory_space<vmem>>, vector<1x1x1x16xf32>,
        %get3A_523 = vector.shape_cast %get3A_522 : vector<1x1x1x16xf32> to vector<16xf32>
        %add3A_524 = arith.addf %add3A_444, %get3A_523 : vector<16xf32>
        %get3A_525 = arith.constant 0 : i32
        %get3A_526 = arith.constant 2 : i32
        %get3A_527 = arith.index_cast %get3A_525 : i32 to index
        %get3A_528 = arith.index_cast %get3A_526 : i32 to index
        %get3A_529 = arith.index_cast %scan3A_357 : i32 to index
        %get3A_530 = arith.constant 0 : index
        %get3A_531 = tpu.vector_load %arg12[%get3A_527, %get3A_528, %get3A_529, %get3A_530] {strides = array<i32>} : memref<2x3x100x64xf32, #tpu.memory_space<vmem>>, vector<1x1x1x16xf32>,
        %get3A_532 = vector.shape_cast %get3A_531 : vector<1x1x1x16xf32> to vector<16xf32>
        %add3A_533 = arith.addf %add3A_453, %get3A_532 : vector<16xf32>
        %add3A_534 = arith.constant 50 : i32
        %add3A_535 = arith.addi %add3A_534, %scan3A_357 : i32
        %get3A_536 = arith.constant 0 : i32
        %get3A_537 = arith.constant 2 : i32
        %get3A_538 = arith.index_cast %get3A_536 : i32 to index
        %get3A_539 = arith.index_cast %get3A_537 : i32 to index
        %get3A_540 = arith.index_cast %add3A_535 : i32 to index
        %get3A_541 = arith.constant 0 : index
        %get3A_542 = tpu.vector_load %arg12[%get3A_538, %get3A_539, %get3A_540, %get3A_541] {strides = array<i32>} : memref<2x3x100x64xf32, #tpu.memory_space<vmem>>, vector<1x1x1x16xf32>,
        %get3A_543 = vector.shape_cast %get3A_542 : vector<1x1x1x16xf32> to vector<16xf32>
        %add3A_544 = arith.addf %add3A_464, %get3A_543 : vector<16xf32>
        %get3A_545 = arith.constant 0 : i32
        %get3A_546 = arith.constant 2 : i32
        %get3A_547 = arith.index_cast %get3A_545 : i32 to index
        %get3A_548 = arith.index_cast %get3A_546 : i32 to index
        %get3A_549 = arith.index_cast %scan3A_357 : i32 to index
        %get3A_550 = arith.constant 16 : index
        %get3A_551 = tpu.vector_load %arg12[%get3A_547, %get3A_548, %get3A_549, %get3A_550] {strides = array<i32>} : memref<2x3x100x64xf32, #tpu.memory_space<vmem>>, vector<1x1x1x16xf32>,
        %get3A_552 = vector.shape_cast %get3A_551 : vector<1x1x1x16xf32> to vector<16xf32>
        %add3A_553 = arith.addf %add3A_473, %get3A_552 : vector<16xf32>
        %add3A_554 = arith.constant 50 : i32
        %add3A_555 = arith.addi %add3A_554, %scan3A_357 : i32
        %get3A_556 = arith.constant 0 : i32
        %get3A_557 = arith.constant 2 : i32
        %get3A_558 = arith.index_cast %get3A_556 : i32 to index
        %get3A_559 = arith.index_cast %get3A_557 : i32 to index
        %get3A_560 = arith.index_cast %add3A_555 : i32 to index
        %get3A_561 = arith.constant 16 : index
        %get3A_562 = tpu.vector_load %arg12[%get3A_558, %get3A_559, %get3A_560, %get3A_561] {strides = array<i32>} : memref<2x3x100x64xf32, #tpu.memory_space<vmem>>, vector<1x1x1x16xf32>,
        %get3A_563 = vector.shape_cast %get3A_562 : vector<1x1x1x16xf32> to vector<16xf32>
        %add3A_564 = arith.addf %add3A_484, %get3A_563 : vector<16xf32>
        %get3A_565 = arith.constant 0 : i32
        %get3A_566 = arith.constant 2 : i32
        %get3A_567 = arith.index_cast %get3A_565 : i32 to index
        %get3A_568 = arith.index_cast %get3A_566 : i32 to index
        %get3A_569 = arith.index_cast %scan3A_357 : i32 to index
        %get3A_570 = arith.constant 32 : index
        %get3A_571 = tpu.vector_load %arg12[%get3A_567, %get3A_568, %get3A_569, %get3A_570] {strides = array<i32>} : memref<2x3x100x64xf32, #tpu.memory_space<vmem>>, vector<1x1x1x16xf32>,
        %get3A_572 = vector.shape_cast %get3A_571 : vector<1x1x1x16xf32> to vector<16xf32>
        %add3A_573 = arith.addf %add3A_493, %get3A_572 : vector<16xf32>
        %add3A_574 = arith.constant 50 : i32
        %add3A_575 = arith.addi %add3A_574, %scan3A_357 : i32
        %get3A_576 = arith.constant 0 : i32
        %get3A_577 = arith.constant 2 : i32
        %get3A_578 = arith.index_cast %get3A_576 : i32 to index
        %get3A_579 = arith.index_cast %get3A_577 : i32 to index
        %get3A_580 = arith.index_cast %add3A_575 : i32 to index
        %get3A_581 = arith.constant 32 : index
        %get3A_582 = tpu.vector_load %arg12[%get3A_578, %get3A_579, %get3A_580, %get3A_581] {strides = array<i32>} : memref<2x3x100x64xf32, #tpu.memory_space<vmem>>, vector<1x1x1x16xf32>,
        %get3A_583 = vector.shape_cast %get3A_582 : vector<1x1x1x16xf32> to vector<16xf32>
        %add3A_584 = arith.addf %add3A_504, %get3A_583 : vector<16xf32>
        %get3A_585 = arith.constant 0 : i32
        %get3A_586 = arith.constant 2 : i32
        %get3A_587 = arith.index_cast %get3A_585 : i32 to index
        %get3A_588 = arith.index_cast %get3A_586 : i32 to index
        %get3A_589 = arith.index_cast %scan3A_357 : i32 to index
        %get3A_590 = arith.constant 48 : index
        %get3A_591 = tpu.vector_load %arg12[%get3A_587, %get3A_588, %get3A_589, %get3A_590] {strides = array<i32>} : memref<2x3x100x64xf32, #tpu.memory_space<vmem>>, vector<1x1x1x16xf32>,
        %get3A_592 = vector.shape_cast %get3A_591 : vector<1x1x1x16xf32> to vector<16xf32>
        %add3A_593 = arith.addf %add3A_513, %get3A_592 : vector<16xf32>
        %add3A_594 = arith.constant 50 : i32
        %add3A_595 = arith.addi %add3A_594, %scan3A_357 : i32
        %get3A_596 = arith.constant 0 : i32
        %get3A_597 = arith.constant 2 : i32
        %get3A_598 = arith.index_cast %get3A_596 : i32 to index
        %get3A_599 = arith.index_cast %get3A_597 : i32 to index
        %get3A_600 = arith.index_cast %add3A_595 : i32 to index
        %get3A_601 = arith.constant 48 : index
        %get3A_602 = tpu.vector_load %arg12[%get3A_598, %get3A_599, %get3A_600, %get3A_601] {strides = array<i32>} : memref<2x3x100x64xf32, #tpu.memory_space<vmem>>, vector<1x1x1x16xf32>,
        %get3A_603 = vector.shape_cast %get3A_602 : vector<1x1x1x16xf32> to vector<16xf32>
        %add3A_604 = arith.addf %add3A_524, %get3A_603 : vector<16xf32>
        scf.yield %add3A_533, %add3A_553, %add3A_573, %add3A_593, %add3A_544, %add3A_564, %add3A_584, %add3A_604 : vector<16xf32>, vector<16xf32>, vector<16xf32>, vector<16xf32>, vector<16xf32>, vector<16xf32>, vector<16xf32>, vector<16xf32>
      }
      %scan3A_152 = arith.constant 50 : i32
      %mul3A_153 = arith.constant 2 : i32
      %mul3A_154 = arith.muli %mul3A_153, %add3A_93 : i32
      %swap3A = arith.index_cast %mul3A_154 : i32 to index
      %swap3A_155 = arith.constant 0 : index
      %swap3A_156 = tpu.vector_load %arg13[%swap3A, %swap3A_155] {strides = array<i32>} : memref<128x64xf32, #tpu.memory_space<vmem>>, vector<1x16xf32>,
      %swap3A_157 = vector.shape_cast %swap3A_156 : vector<1x16xf32> to vector<16xf32>
      %swap3A_158 = vector.shape_cast %scan3A_151#0 : vector<16xf32> to vector<1x16xf32>
      tpu.vector_store %arg13[%swap3A, %swap3A_155], %swap3A_158 {strides = array<i32>} : memref<128x64xf32, #tpu.memory_space<vmem>>, vector<1x16xf32>,
      %mul3A_159 = arith.constant 2 : i32
      %mul3A_160 = arith.muli %mul3A_159, %add3A_93 : i32
      %add3A_161 = arith.constant 1 : i32
      %add3A_162 = arith.addi %mul3A_160, %add3A_161 : i32
      %swap3A_163 = arith.index_cast %add3A_162 : i32 to index
      %swap3A_164 = arith.constant 0 : index
      %swap3A_165 = tpu.vector_load %arg13[%swap3A_163, %swap3A_164] {strides = array<i32>} : memref<128x64xf32, #tpu.memory_space<vmem>>, vector<1x16xf32>,
      %swap3A_166 = vector.shape_cast %swap3A_165 : vector<1x16xf32> to vector<16xf32>
      %swap3A_167 = vector.shape_cast %scan3A_151#4 : vector<16xf32> to vector<1x16xf32>
      tpu.vector_store %arg13[%swap3A_163, %swap3A_164], %swap3A_167 {strides = array<i32>} : memref<128x64xf32, #tpu.memory_space<vmem>>, vector<1x16xf32>,
      %mul3A_168 = arith.constant 2 : i32
      %mul3A_169 = arith.muli %mul3A_168, %add3A_93 : i32
      %swap3A_170 = arith.index_cast %mul3A_169 : i32 to index
      %swap3A_171 = arith.constant 16 : index
      %swap3A_172 = tpu.vector_load %arg13[%swap3A_170, %swap3A_171] {strides = array<i32>} : memref<128x64xf32, #tpu.memory_space<vmem>>, vector<1x16xf32>,
      %swap3A_173 = vector.shape_cast %swap3A_172 : vector<1x16xf32> to vector<16xf32>
      %swap3A_174 = vector.shape_cast %scan3A_151#1 : vector<16xf32> to vector<1x16xf32>
      tpu.vector_store %arg13[%swap3A_170, %swap3A_171], %swap3A_174 {strides = array<i32>} : memref<128x64xf32, #tpu.memory_space<vmem>>, vector<1x16xf32>,
      %mul3A_175 = arith.constant 2 : i32
      %mul3A_176 = arith.muli %mul3A_175, %add3A_93 : i32
      %add3A_177 = arith.constant 1 : i32
      %add3A_178 = arith.addi %mul3A_176, %add3A_177 : i32
      %swap3A_179 = arith.index_cast %add3A_178 : i32 to index
      %swap3A_180 = arith.constant 16 : index
      %swap3A_181 = tpu.vector_load %arg13[%swap3A_179, %swap3A_180] {strides = array<i32>} : memref<128x64xf32, #tpu.memory_space<vmem>>, vector<1x16xf32>,
      %swap3A_182 = vector.shape_cast %swap3A_181 : vector<1x16xf32> to vector<16xf32>
      %swap3A_183 = vector.shape_cast %scan3A_151#5 : vector<16xf32> to vector<1x16xf32>
      tpu.vector_store %arg13[%swap3A_179, %swap3A_180], %swap3A_183 {strides = array<i32>} : memref<128x64xf32, #tpu.memory_space<vmem>>, vector<1x16xf32>,
      %mul3A_184 = arith.constant 2 : i32
      %mul3A_185 = arith.muli %mul3A_184, %add3A_93 : i32
      %swap3A_186 = arith.index_cast %mul3A_185 : i32 to index
      %swap3A_187 = arith.constant 32 : index
      %swap3A_188 = tpu.vector_load %arg13[%swap3A_186, %swap3A_187] {strides = array<i32>} : memref<128x64xf32, #tpu.memory_space<vmem>>, vector<1x16xf32>,
      %swap3A_189 = vector.shape_cast %swap3A_188 : vector<1x16xf32> to vector<16xf32>
      %swap3A_190 = vector.shape_cast %scan3A_151#2 : vector<16xf32> to vector<1x16xf32>
      tpu.vector_store %arg13[%swap3A_186, %swap3A_187], %swap3A_190 {strides = array<i32>} : memref<128x64xf32, #tpu.memory_space<vmem>>, vector<1x16xf32>,
      %mul3A_191 = arith.constant 2 : i32
      %mul3A_192 = arith.muli %mul3A_191, %add3A_93 : i32
      %add3A_193 = arith.constant 1 : i32
      %add3A_194 = arith.addi %mul3A_192, %add3A_193 : i32
      %swap3A_195 = arith.index_cast %add3A_194 : i32 to index
      %swap3A_196 = arith.constant 32 : index
      %swap3A_197 = tpu.vector_load %arg13[%swap3A_195, %swap3A_196] {strides = array<i32>} : memref<128x64xf32, #tpu.memory_space<vmem>>, vector<1x16xf32>,
      %swap3A_198 = vector.shape_cast %swap3A_197 : vector<1x16xf32> to vector<16xf32>
      %swap3A_199 = vector.shape_cast %scan3A_151#6 : vector<16xf32> to vector<1x16xf32>
      tpu.vector_store %arg13[%swap3A_195, %swap3A_196], %swap3A_199 {strides = array<i32>} : memref<128x64xf32, #tpu.memory_space<vmem>>, vector<1x16xf32>,
      %mul3A_200 = arith.constant 2 : i32
      %mul3A_201 = arith.muli %mul3A_200, %add3A_93 : i32
      %swap3A_202 = arith.index_cast %mul3A_201 : i32 to index
      %swap3A_203 = arith.constant 48 : index
      %swap3A_204 = tpu.vector_load %arg13[%swap3A_202, %swap3A_203] {strides = array<i32>} : memref<128x64xf32, #tpu.memory_space<vmem>>, vector<1x16xf32>,
      %swap3A_205 = vector.shape_cast %swap3A_204 : vector<1x16xf32> to vector<16xf32>
      %swap3A_206 = vector.shape_cast %scan3A_151#3 : vector<16xf32> to vector<1x16xf32>
      tpu.vector_store %arg13[%swap3A_202, %swap3A_203], %swap3A_206 {strides = array<i32>} : memref<128x64xf32, #tpu.memory_space<vmem>>, vector<1x16xf32>,
      %mul3A_207 = arith.constant 2 : i32
      %mul3A_208 = arith.muli %mul3A_207, %add3A_93 : i32
      %add3A_209 = arith.constant 1 : i32
      %add3A_210 = arith.addi %mul3A_208, %add3A_209 : i32
      %swap3A_211 = arith.index_cast %add3A_210 : i32 to index
      %swap3A_212 = arith.constant 48 : index
      %swap3A_213 = tpu.vector_load %arg13[%swap3A_211, %swap3A_212] {strides = array<i32>} : memref<128x64xf32, #tpu.memory_space<vmem>>, vector<1x16xf32>,
      %swap3A_214 = vector.shape_cast %swap3A_213 : vector<1x16xf32> to vector<16xf32>
      %swap3A_215 = vector.shape_cast %scan3A_151#7 : vector<16xf32> to vector<1x16xf32>
      tpu.vector_store %arg13[%swap3A_211, %swap3A_212], %swap3A_215 {strides = array<i32>} : memref<128x64xf32, #tpu.memory_space<vmem>>, vector<1x16xf32>,
      %add3A_216 = arith.constant 2 : i32
      %add3A_217 = arith.addi %add3A_93, %add3A_216 : i32
      %lt3A = arith.constant 64 : i32
      %lt3A_218 = arith.cmpi slt, %add3A_217, %lt3A : i32
      %convert_element_type3A = arith.extui %lt3A_218 : i1 to i32
      %cond3A = arith.constant 0 : i32
      %cond3A_219 = arith.cmpi ne, %convert_element_type3A, %cond3A : i32
      scf.if %cond3A_219 {
        %add3A_357 = arith.constant 2 : i32
        %add3A_358 = arith.addi %add3A_93, %add3A_357 : i32
        %dma_start3A_359 = arith.constant 0 : i32
        %dma_start3A_360 = arith.constant 0 : i32
        %dma_start3A_361 = arith.constant 0 : i32
        %dma_start3A_362 = arith.constant 0 : i32
        %dma_start3A_363 = tpu.memref_slice %arg12[%dma_start3A_359, %dma_start3A_360, %dma_start3A_361, %dma_start3A_362] : memref<2x3x100x64xf32, #tpu.memory_space<vmem>> -> memref<1x1x100x64xf32, #tpu.memory_space<vmem>>
        %dma_start3A_364 = tpu.memref_squeeze %dma_start3A_363 : memref<1x1x100x64xf32, #tpu.memory_space<vmem>> -> memref<100x64xf32, #tpu.memory_space<vmem>>
        %dma_start3A_365 = arith.constant 0 : i32
        %dma_start3A_366 = tpu.memref_slice %arg9[%add3A_358, %dma_start3A_365] : memref<64x100xi32, #tpu.memory_space<vmem>> -> memref<1x100xi32, #tpu.memory_space<vmem>>
        %dma_start3A_367 = tpu.memref_squeeze %dma_start3A_366 : memref<1x100xi32, #tpu.memory_space<vmem>> -> memref<100xi32, #tpu.memory_space<vmem>>
        %dma_start3A_368 = arith.constant 0 : i32
        %dma_start3A_369 = arith.constant 0 : i32
        %dma_start3A_370 = tpu.memref_slice %arg5[%dma_start3A_368, %dma_start3A_369] : memref<100000x64xf32, #tpu.memory_space<hbm>> -> memref<100000x64xf32, #tpu.memory_space<hbm>>
        tpu.enqueue_indirect_dma source(%dma_start3A_370 : memref<100000x64xf32, #tpu.memory_space<hbm>>) target(%dma_start3A_364 : memref<100x64xf32, #tpu.memory_space<vmem>>) offsets(%dma_start3A_367 : memref<100xi32, #tpu.memory_space<vmem>>) semaphore(%arg14 : memref<!tpu.dma_semaphore, #tpu.memory_space<semaphore_mem>>)
        %dma_start3A_371 = arith.constant 0 : i32
        %dma_start3A_372 = arith.constant 1 : i32
        %dma_start3A_373 = arith.constant 0 : i32
        %dma_start3A_374 = arith.constant 0 : i32
        %dma_start3A_375 = tpu.memref_slice %arg12[%dma_start3A_371, %dma_start3A_372, %dma_start3A_373, %dma_start3A_374] : memref<2x3x100x64xf32, #tpu.memory_space<vmem>> -> memref<1x1x100x64xf32, #tpu.memory_space<vmem>>
        %dma_start3A_376 = tpu.memref_squeeze %dma_start3A_375 : memref<1x1x100x64xf32, #tpu.memory_space<vmem>> -> memref<100x64xf32, #tpu.memory_space<vmem>>
        %dma_start3A_377 = arith.constant 0 : i32
        %dma_start3A_378 = tpu.memref_slice %arg10[%add3A_358, %dma_start3A_377] : memref<64x100xi32, #tpu.memory_space<vmem>> -> memref<1x100xi32, #tpu.memory_space<vmem>>
        %dma_start3A_379 = tpu.memref_squeeze %dma_start3A_378 : memref<1x100xi32, #tpu.memory_space<vmem>> -> memref<100xi32, #tpu.memory_space<vmem>>
        %dma_start3A_380 = arith.constant 0 : i32
        %dma_start3A_381 = arith.constant 0 : i32
        %dma_start3A_382 = tpu.memref_slice %arg6[%dma_start3A_380, %dma_start3A_381] : memref<100000x64xf32, #tpu.memory_space<hbm>> -> memref<100000x64xf32, #tpu.memory_space<hbm>>
        tpu.enqueue_indirect_dma source(%dma_start3A_382 : memref<100000x64xf32, #tpu.memory_space<hbm>>) target(%dma_start3A_376 : memref<100x64xf32, #tpu.memory_space<vmem>>) offsets(%dma_start3A_379 : memref<100xi32, #tpu.memory_space<vmem>>) semaphore(%arg14 : memref<!tpu.dma_semaphore, #tpu.memory_space<semaphore_mem>>)
        %dma_start3A_383 = arith.constant 0 : i32
        %dma_start3A_384 = arith.constant 2 : i32
        %dma_start3A_385 = arith.constant 0 : i32
        %dma_start3A_386 = arith.constant 0 : i32
        %dma_start3A_387 = tpu.memref_slice %arg12[%dma_start3A_383, %dma_start3A_384, %dma_start3A_385, %dma_start3A_386] : memref<2x3x100x64xf32, #tpu.memory_space<vmem>> -> memref<1x1x100x64xf32, #tpu.memory_space<vmem>>
        %dma_start3A_388 = tpu.memref_squeeze %dma_start3A_387 : memref<1x1x100x64xf32, #tpu.memory_space<vmem>> -> memref<100x64xf32, #tpu.memory_space<vmem>>
        %dma_start3A_389 = arith.constant 0 : i32
        %dma_start3A_390 = tpu.memref_slice %arg11[%add3A_358, %dma_start3A_389] : memref<64x100xi32, #tpu.memory_space<vmem>> -> memref<1x100xi32, #tpu.memory_space<vmem>>
        %dma_start3A_391 = tpu.memref_squeeze %dma_start3A_390 : memref<1x100xi32, #tpu.memory_space<vmem>> -> memref<100xi32, #tpu.memory_space<vmem>>
        %dma_start3A_392 = arith.constant 0 : i32
        %dma_start3A_393 = arith.constant 0 : i32
        %dma_start3A_394 = tpu.memref_slice %arg7[%dma_start3A_392, %dma_start3A_393] : memref<1000x64xf32, #tpu.memory_space<hbm>> -> memref<1000x64xf32, #tpu.memory_space<hbm>>
        tpu.enqueue_indirect_dma source(%dma_start3A_394 : memref<1000x64xf32, #tpu.memory_space<hbm>>) target(%dma_start3A_388 : memref<100x64xf32, #tpu.memory_space<vmem>>) offsets(%dma_start3A_391 : memref<100xi32, #tpu.memory_space<vmem>>) semaphore(%arg14 : memref<!tpu.dma_semaphore, #tpu.memory_space<semaphore_mem>>)
      } else {
      }
      %mul3A_220 = arith.constant 2 : i32
      %mul3A_221 = arith.muli %scan3A_88, %mul3A_220 : i32
      %add3A_222 = arith.constant 1 : i32
      %add3A_223 = arith.addi %mul3A_221, %add3A_222 : i32
      %dma_wait3A_224 = arith.constant 0 : i32
      %dma_wait3A_225 = arith.constant 1 : i32
      %dma_wait3A_226 = arith.constant 0 : i32
      %dma_wait3A_227 = arith.constant 0 : i32
      %dma_wait3A_228 = arith.constant 0 : i32
      %dma_wait3A_229 = tpu.memref_slice %arg12[%dma_wait3A_225, %dma_wait3A_226, %dma_wait3A_227, %dma_wait3A_228] : memref<2x3x100x64xf32, #tpu.memory_space<vmem>> -> memref<1x1x100x64xf32, #tpu.memory_space<vmem>>
      %dma_wait3A_230 = tpu.memref_squeeze %dma_wait3A_229 : memref<1x1x100x64xf32, #tpu.memory_space<vmem>> -> memref<100x64xf32, #tpu.memory_space<vmem>>
      %dma_wait3A_231 = arith.constant 0 : i32
      %dma_wait3A_232 = tpu.memref_slice %arg9[%dma_wait3A_224, %dma_wait3A_231] : memref<64x100xi32, #tpu.memory_space<vmem>> -> memref<1x100xi32, #tpu.memory_space<vmem>>
      %dma_wait3A_233 = tpu.memref_squeeze %dma_wait3A_232 : memref<1x100xi32, #tpu.memory_space<vmem>> -> memref<100xi32, #tpu.memory_space<vmem>>
      %dma_wait3A_234 = arith.constant 0 : i32
      %dma_wait3A_235 = arith.constant 0 : i32
      %dma_wait3A_236 = tpu.memref_slice %arg5[%dma_wait3A_234, %dma_wait3A_235] : memref<100000x64xf32, #tpu.memory_space<hbm>> -> memref<100000x64xf32, #tpu.memory_space<hbm>>
      tpu.wait_indirect_dma semaphore(%arg15 : memref<!tpu.dma_semaphore, #tpu.memory_space<semaphore_mem>>) src(%dma_wait3A_236 : memref<100000x64xf32, #tpu.memory_space<hbm>>) dst(%dma_wait3A_230 : memref<100x64xf32, #tpu.memory_space<vmem>>)
      %dma_wait3A_237 = arith.constant 0 : i32
      %dma_wait3A_238 = arith.constant 1 : i32
      %dma_wait3A_239 = arith.constant 1 : i32
      %dma_wait3A_240 = arith.constant 0 : i32
      %dma_wait3A_241 = arith.constant 0 : i32
      %dma_wait3A_242 = tpu.memref_slice %arg12[%dma_wait3A_238, %dma_wait3A_239, %dma_wait3A_240, %dma_wait3A_241] : memref<2x3x100x64xf32, #tpu.memory_space<vmem>> -> memref<1x1x100x64xf32, #tpu.memory_space<vmem>>
      %dma_wait3A_243 = tpu.memref_squeeze %dma_wait3A_242 : memref<1x1x100x64xf32, #tpu.memory_space<vmem>> -> memref<100x64xf32, #tpu.memory_space<vmem>>
      %dma_wait3A_244 = arith.constant 0 : i32
      %dma_wait3A_245 = tpu.memref_slice %arg10[%dma_wait3A_237, %dma_wait3A_244] : memref<64x100xi32, #tpu.memory_space<vmem>> -> memref<1x100xi32, #tpu.memory_space<vmem>>
      %dma_wait3A_246 = tpu.memref_squeeze %dma_wait3A_245 : memref<1x100xi32, #tpu.memory_space<vmem>> -> memref<100xi32, #tpu.memory_space<vmem>>
      %dma_wait3A_247 = arith.constant 0 : i32
      %dma_wait3A_248 = arith.constant 0 : i32
      %dma_wait3A_249 = tpu.memref_slice %arg6[%dma_wait3A_247, %dma_wait3A_248] : memref<100000x64xf32, #tpu.memory_space<hbm>> -> memref<100000x64xf32, #tpu.memory_space<hbm>>
      tpu.wait_indirect_dma semaphore(%arg15 : memref<!tpu.dma_semaphore, #tpu.memory_space<semaphore_mem>>) src(%dma_wait3A_249 : memref<100000x64xf32, #tpu.memory_space<hbm>>) dst(%dma_wait3A_243 : memref<100x64xf32, #tpu.memory_space<vmem>>)
      %dma_wait3A_250 = arith.constant 0 : i32
      %dma_wait3A_251 = arith.constant 1 : i32
      %dma_wait3A_252 = arith.constant 2 : i32
      %dma_wait3A_253 = arith.constant 0 : i32
      %dma_wait3A_254 = arith.constant 0 : i32
      %dma_wait3A_255 = tpu.memref_slice %arg12[%dma_wait3A_251, %dma_wait3A_252, %dma_wait3A_253, %dma_wait3A_254] : memref<2x3x100x64xf32, #tpu.memory_space<vmem>> -> memref<1x1x100x64xf32, #tpu.memory_space<vmem>>
      %dma_wait3A_256 = tpu.memref_squeeze %dma_wait3A_255 : memref<1x1x100x64xf32, #tpu.memory_space<vmem>> -> memref<100x64xf32, #tpu.memory_space<vmem>>
      %dma_wait3A_257 = arith.constant 0 : i32
      %dma_wait3A_258 = tpu.memref_slice %arg11[%dma_wait3A_250, %dma_wait3A_257] : memref<64x100xi32, #tpu.memory_space<vmem>> -> memref<1x100xi32, #tpu.memory_space<vmem>>
      %dma_wait3A_259 = tpu.memref_squeeze %dma_wait3A_258 : memref<1x100xi32, #tpu.memory_space<vmem>> -> memref<100xi32, #tpu.memory_space<vmem>>
      %dma_wait3A_260 = arith.constant 0 : i32
      %dma_wait3A_261 = arith.constant 0 : i32
      %dma_wait3A_262 = tpu.memref_slice %arg7[%dma_wait3A_260, %dma_wait3A_261] : memref<1000x64xf32, #tpu.memory_space<hbm>> -> memref<1000x64xf32, #tpu.memory_space<hbm>>
      tpu.wait_indirect_dma semaphore(%arg15 : memref<!tpu.dma_semaphore, #tpu.memory_space<semaphore_mem>>) src(%dma_wait3A_262 : memref<1000x64xf32, #tpu.memory_space<hbm>>) dst(%dma_wait3A_256 : memref<100x64xf32, #tpu.memory_space<vmem>>)
      %broadcast_in_dim3A_263 = arith.constant 0.000000e+00 : f32
      %broadcast_in_dim3A_264 = vector.broadcast %broadcast_in_dim3A_263 : f32 to vector<16xf32>
      %broadcast_in_dim3A_265 = arith.constant 0.000000e+00 : f32
      %broadcast_in_dim3A_266 = vector.broadcast %broadcast_in_dim3A_265 : f32 to vector<16xf32>
      %broadcast_in_dim3A_267 = arith.constant 0.000000e+00 : f32
      %broadcast_in_dim3A_268 = vector.broadcast %broadcast_in_dim3A_267 : f32 to vector<16xf32>
      %broadcast_in_dim3A_269 = arith.constant 0.000000e+00 : f32
      %broadcast_in_dim3A_270 = vector.broadcast %broadcast_in_dim3A_269 : f32 to vector<16xf32>
      %broadcast_in_dim3A_271 = arith.constant 0.000000e+00 : f32
      %broadcast_in_dim3A_272 = vector.broadcast %broadcast_in_dim3A_271 : f32 to vector<16xf32>
      %broadcast_in_dim3A_273 = arith.constant 0.000000e+00 : f32
      %broadcast_in_dim3A_274 = vector.broadcast %broadcast_in_dim3A_273 : f32 to vector<16xf32>
      %broadcast_in_dim3A_275 = arith.constant 0.000000e+00 : f32
      %broadcast_in_dim3A_276 = vector.broadcast %broadcast_in_dim3A_275 : f32 to vector<16xf32>
      %broadcast_in_dim3A_277 = arith.constant 0.000000e+00 : f32
      %broadcast_in_dim3A_278 = vector.broadcast %broadcast_in_dim3A_277 : f32 to vector<16xf32>
      %scan3A_279 = arith.constant 0 : i32
      %scan3A_280 = arith.constant 50 : i32
      %scan3A_281 = arith.addi %scan3A_279, %scan3A_280 : i32
      %scan3A_282 = arith.constant 1 : i32
      %scan3A_283:8 = scf.for %scan3A_357 = %scan3A_279 to %scan3A_281 step %scan3A_282 iter_args(%scan3A_358 = %broadcast_in_dim3A_264, %scan3A_359 = %broadcast_in_dim3A_266, %scan3A_360 = %broadcast_in_dim3A_268, %scan3A_361 = %broadcast_in_dim3A_270, %scan3A_362 = %broadcast_in_dim3A_272, %scan3A_363 = %broadcast_in_dim3A_274, %scan3A_364 = %broadcast_in_dim3A_276, %scan3A_365 = %broadcast_in_dim3A_278) -> (vector<16xf32>, vector<16xf32>, vector<16xf32>, vector<16xf32>, vector<16xf32>, vector<16xf32>, vector<16xf32>, vector<16xf32>)  : i32 {
        %get3A = arith.constant 1 : i32
        %get3A_366 = arith.constant 0 : i32
        %get3A_367 = arith.index_cast %get3A : i32 to index
        %get3A_368 = arith.index_cast %get3A_366 : i32 to index
        %get3A_369 = arith.index_cast %scan3A_357 : i32 to index
        %get3A_370 = arith.constant 0 : index
        %get3A_371 = tpu.vector_load %arg12[%get3A_367, %get3A_368, %get3A_369, %get3A_370] {strides = array<i32>} : memref<2x3x100x64xf32, #tpu.memory_space<vmem>>, vector<1x1x1x16xf32>,
        %get3A_372 = vector.shape_cast %get3A_371 : vector<1x1x1x16xf32> to vector<16xf32>
        %add3A_373 = arith.addf %scan3A_358, %get3A_372 : vector<16xf32>
        %add3A_374 = arith.constant 50 : i32
        %add3A_375 = arith.addi %add3A_374, %scan3A_357 : i32
        %get3A_376 = arith.constant 1 : i32
        %get3A_377 = arith.constant 0 : i32
        %get3A_378 = arith.index_cast %get3A_376 : i32 to index
        %get3A_379 = arith.index_cast %get3A_377 : i32 to index
        %get3A_380 = arith.index_cast %add3A_375 : i32 to index
        %get3A_381 = arith.constant 0 : index
        %get3A_382 = tpu.vector_load %arg12[%get3A_378, %get3A_379, %get3A_380, %get3A_381] {strides = array<i32>} : memref<2x3x100x64xf32, #tpu.memory_space<vmem>>, vector<1x1x1x16xf32>,
        %get3A_383 = vector.shape_cast %get3A_382 : vector<1x1x1x16xf32> to vector<16xf32>
        %add3A_384 = arith.addf %scan3A_362, %get3A_383 : vector<16xf32>
        %get3A_385 = arith.constant 1 : i32
        %get3A_386 = arith.constant 0 : i32
        %get3A_387 = arith.index_cast %get3A_385 : i32 to index
        %get3A_388 = arith.index_cast %get3A_386 : i32 to index
        %get3A_389 = arith.index_cast %scan3A_357 : i32 to index
        %get3A_390 = arith.constant 16 : index
        %get3A_391 = tpu.vector_load %arg12[%get3A_387, %get3A_388, %get3A_389, %get3A_390] {strides = array<i32>} : memref<2x3x100x64xf32, #tpu.memory_space<vmem>>, vector<1x1x1x16xf32>,
        %get3A_392 = vector.shape_cast %get3A_391 : vector<1x1x1x16xf32> to vector<16xf32>
        %add3A_393 = arith.addf %scan3A_359, %get3A_392 : vector<16xf32>
        %add3A_394 = arith.constant 50 : i32
        %add3A_395 = arith.addi %add3A_394, %scan3A_357 : i32
        %get3A_396 = arith.constant 1 : i32
        %get3A_397 = arith.constant 0 : i32
        %get3A_398 = arith.index_cast %get3A_396 : i32 to index
        %get3A_399 = arith.index_cast %get3A_397 : i32 to index
        %get3A_400 = arith.index_cast %add3A_395 : i32 to index
        %get3A_401 = arith.constant 16 : index
        %get3A_402 = tpu.vector_load %arg12[%get3A_398, %get3A_399, %get3A_400, %get3A_401] {strides = array<i32>} : memref<2x3x100x64xf32, #tpu.memory_space<vmem>>, vector<1x1x1x16xf32>,
        %get3A_403 = vector.shape_cast %get3A_402 : vector<1x1x1x16xf32> to vector<16xf32>
        %add3A_404 = arith.addf %scan3A_363, %get3A_403 : vector<16xf32>
        %get3A_405 = arith.constant 1 : i32
        %get3A_406 = arith.constant 0 : i32
        %get3A_407 = arith.index_cast %get3A_405 : i32 to index
        %get3A_408 = arith.index_cast %get3A_406 : i32 to index
        %get3A_409 = arith.index_cast %scan3A_357 : i32 to index
        %get3A_410 = arith.constant 32 : index
        %get3A_411 = tpu.vector_load %arg12[%get3A_407, %get3A_408, %get3A_409, %get3A_410] {strides = array<i32>} : memref<2x3x100x64xf32, #tpu.memory_space<vmem>>, vector<1x1x1x16xf32>,
        %get3A_412 = vector.shape_cast %get3A_411 : vector<1x1x1x16xf32> to vector<16xf32>
        %add3A_413 = arith.addf %scan3A_360, %get3A_412 : vector<16xf32>
        %add3A_414 = arith.constant 50 : i32
        %add3A_415 = arith.addi %add3A_414, %scan3A_357 : i32
        %get3A_416 = arith.constant 1 : i32
        %get3A_417 = arith.constant 0 : i32
        %get3A_418 = arith.index_cast %get3A_416 : i32 to index
        %get3A_419 = arith.index_cast %get3A_417 : i32 to index
        %get3A_420 = arith.index_cast %add3A_415 : i32 to index
        %get3A_421 = arith.constant 32 : index
        %get3A_422 = tpu.vector_load %arg12[%get3A_418, %get3A_419, %get3A_420, %get3A_421] {strides = array<i32>} : memref<2x3x100x64xf32, #tpu.memory_space<vmem>>, vector<1x1x1x16xf32>,
        %get3A_423 = vector.shape_cast %get3A_422 : vector<1x1x1x16xf32> to vector<16xf32>
        %add3A_424 = arith.addf %scan3A_364, %get3A_423 : vector<16xf32>
        %get3A_425 = arith.constant 1 : i32
        %get3A_426 = arith.constant 0 : i32
        %get3A_427 = arith.index_cast %get3A_425 : i32 to index
        %get3A_428 = arith.index_cast %get3A_426 : i32 to index
        %get3A_429 = arith.index_cast %scan3A_357 : i32 to index
        %get3A_430 = arith.constant 48 : index
        %get3A_431 = tpu.vector_load %arg12[%get3A_427, %get3A_428, %get3A_429, %get3A_430] {strides = array<i32>} : memref<2x3x100x64xf32, #tpu.memory_space<vmem>>, vector<1x1x1x16xf32>,
        %get3A_432 = vector.shape_cast %get3A_431 : vector<1x1x1x16xf32> to vector<16xf32>
        %add3A_433 = arith.addf %scan3A_361, %get3A_432 : vector<16xf32>
        %add3A_434 = arith.constant 50 : i32
        %add3A_435 = arith.addi %add3A_434, %scan3A_357 : i32
        %get3A_436 = arith.constant 1 : i32
        %get3A_437 = arith.constant 0 : i32
        %get3A_438 = arith.index_cast %get3A_436 : i32 to index
        %get3A_439 = arith.index_cast %get3A_437 : i32 to index
        %get3A_440 = arith.index_cast %add3A_435 : i32 to index
        %get3A_441 = arith.constant 48 : index
        %get3A_442 = tpu.vector_load %arg12[%get3A_438, %get3A_439, %get3A_440, %get3A_441] {strides = array<i32>} : memref<2x3x100x64xf32, #tpu.memory_space<vmem>>, vector<1x1x1x16xf32>,
        %get3A_443 = vector.shape_cast %get3A_442 : vector<1x1x1x16xf32> to vector<16xf32>
        %add3A_444 = arith.addf %scan3A_365, %get3A_443 : vector<16xf32>
        %get3A_445 = arith.constant 1 : i32
        %get3A_446 = arith.constant 1 : i32
        %get3A_447 = arith.index_cast %get3A_445 : i32 to index
        %get3A_448 = arith.index_cast %get3A_446 : i32 to index
        %get3A_449 = arith.index_cast %scan3A_357 : i32 to index
        %get3A_450 = arith.constant 0 : index
        %get3A_451 = tpu.vector_load %arg12[%get3A_447, %get3A_448, %get3A_449, %get3A_450] {strides = array<i32>} : memref<2x3x100x64xf32, #tpu.memory_space<vmem>>, vector<1x1x1x16xf32>,
        %get3A_452 = vector.shape_cast %get3A_451 : vector<1x1x1x16xf32> to vector<16xf32>
        %add3A_453 = arith.addf %add3A_373, %get3A_452 : vector<16xf32>
        %add3A_454 = arith.constant 50 : i32
        %add3A_455 = arith.addi %add3A_454, %scan3A_357 : i32
        %get3A_456 = arith.constant 1 : i32
        %get3A_457 = arith.constant 1 : i32
        %get3A_458 = arith.index_cast %get3A_456 : i32 to index
        %get3A_459 = arith.index_cast %get3A_457 : i32 to index
        %get3A_460 = arith.index_cast %add3A_455 : i32 to index
        %get3A_461 = arith.constant 0 : index
        %get3A_462 = tpu.vector_load %arg12[%get3A_458, %get3A_459, %get3A_460, %get3A_461] {strides = array<i32>} : memref<2x3x100x64xf32, #tpu.memory_space<vmem>>, vector<1x1x1x16xf32>,
        %get3A_463 = vector.shape_cast %get3A_462 : vector<1x1x1x16xf32> to vector<16xf32>
        %add3A_464 = arith.addf %add3A_384, %get3A_463 : vector<16xf32>
        %get3A_465 = arith.constant 1 : i32
        %get3A_466 = arith.constant 1 : i32
        %get3A_467 = arith.index_cast %get3A_465 : i32 to index
        %get3A_468 = arith.index_cast %get3A_466 : i32 to index
        %get3A_469 = arith.index_cast %scan3A_357 : i32 to index
        %get3A_470 = arith.constant 16 : index
        %get3A_471 = tpu.vector_load %arg12[%get3A_467, %get3A_468, %get3A_469, %get3A_470] {strides = array<i32>} : memref<2x3x100x64xf32, #tpu.memory_space<vmem>>, vector<1x1x1x16xf32>,
        %get3A_472 = vector.shape_cast %get3A_471 : vector<1x1x1x16xf32> to vector<16xf32>
        %add3A_473 = arith.addf %add3A_393, %get3A_472 : vector<16xf32>
        %add3A_474 = arith.constant 50 : i32
        %add3A_475 = arith.addi %add3A_474, %scan3A_357 : i32
        %get3A_476 = arith.constant 1 : i32
        %get3A_477 = arith.constant 1 : i32
        %get3A_478 = arith.index_cast %get3A_476 : i32 to index
        %get3A_479 = arith.index_cast %get3A_477 : i32 to index
        %get3A_480 = arith.index_cast %add3A_475 : i32 to index
        %get3A_481 = arith.constant 16 : index
        %get3A_482 = tpu.vector_load %arg12[%get3A_478, %get3A_479, %get3A_480, %get3A_481] {strides = array<i32>} : memref<2x3x100x64xf32, #tpu.memory_space<vmem>>, vector<1x1x1x16xf32>,
        %get3A_483 = vector.shape_cast %get3A_482 : vector<1x1x1x16xf32> to vector<16xf32>
        %add3A_484 = arith.addf %add3A_404, %get3A_483 : vector<16xf32>
        %get3A_485 = arith.constant 1 : i32
        %get3A_486 = arith.constant 1 : i32
        %get3A_487 = arith.index_cast %get3A_485 : i32 to index
        %get3A_488 = arith.index_cast %get3A_486 : i32 to index
        %get3A_489 = arith.index_cast %scan3A_357 : i32 to index
        %get3A_490 = arith.constant 32 : index
        %get3A_491 = tpu.vector_load %arg12[%get3A_487, %get3A_488, %get3A_489, %get3A_490] {strides = array<i32>} : memref<2x3x100x64xf32, #tpu.memory_space<vmem>>, vector<1x1x1x16xf32>,
        %get3A_492 = vector.shape_cast %get3A_491 : vector<1x1x1x16xf32> to vector<16xf32>
        %add3A_493 = arith.addf %add3A_413, %get3A_492 : vector<16xf32>
        %add3A_494 = arith.constant 50 : i32
        %add3A_495 = arith.addi %add3A_494, %scan3A_357 : i32
        %get3A_496 = arith.constant 1 : i32
        %get3A_497 = arith.constant 1 : i32
        %get3A_498 = arith.index_cast %get3A_496 : i32 to index
        %get3A_499 = arith.index_cast %get3A_497 : i32 to index
        %get3A_500 = arith.index_cast %add3A_495 : i32 to index
        %get3A_501 = arith.constant 32 : index
        %get3A_502 = tpu.vector_load %arg12[%get3A_498, %get3A_499, %get3A_500, %get3A_501] {strides = array<i32>} : memref<2x3x100x64xf32, #tpu.memory_space<vmem>>, vector<1x1x1x16xf32>,
        %get3A_503 = vector.shape_cast %get3A_502 : vector<1x1x1x16xf32> to vector<16xf32>
        %add3A_504 = arith.addf %add3A_424, %get3A_503 : vector<16xf32>
        %get3A_505 = arith.constant 1 : i32
        %get3A_506 = arith.constant 1 : i32
        %get3A_507 = arith.index_cast %get3A_505 : i32 to index
        %get3A_508 = arith.index_cast %get3A_506 : i32 to index
        %get3A_509 = arith.index_cast %scan3A_357 : i32 to index
        %get3A_510 = arith.constant 48 : index
        %get3A_511 = tpu.vector_load %arg12[%get3A_507, %get3A_508, %get3A_509, %get3A_510] {strides = array<i32>} : memref<2x3x100x64xf32, #tpu.memory_space<vmem>>, vector<1x1x1x16xf32>,
        %get3A_512 = vector.shape_cast %get3A_511 : vector<1x1x1x16xf32> to vector<16xf32>
        %add3A_513 = arith.addf %add3A_433, %get3A_512 : vector<16xf32>
        %add3A_514 = arith.constant 50 : i32
        %add3A_515 = arith.addi %add3A_514, %scan3A_357 : i32
        %get3A_516 = arith.constant 1 : i32
        %get3A_517 = arith.constant 1 : i32
        %get3A_518 = arith.index_cast %get3A_516 : i32 to index
        %get3A_519 = arith.index_cast %get3A_517 : i32 to index
        %get3A_520 = arith.index_cast %add3A_515 : i32 to index
        %get3A_521 = arith.constant 48 : index
        %get3A_522 = tpu.vector_load %arg12[%get3A_518, %get3A_519, %get3A_520, %get3A_521] {strides = array<i32>} : memref<2x3x100x64xf32, #tpu.memory_space<vmem>>, vector<1x1x1x16xf32>,
        %get3A_523 = vector.shape_cast %get3A_522 : vector<1x1x1x16xf32> to vector<16xf32>
        %add3A_524 = arith.addf %add3A_444, %get3A_523 : vector<16xf32>
        %get3A_525 = arith.constant 1 : i32
        %get3A_526 = arith.constant 2 : i32
        %get3A_527 = arith.index_cast %get3A_525 : i32 to index
        %get3A_528 = arith.index_cast %get3A_526 : i32 to index
        %get3A_529 = arith.index_cast %scan3A_357 : i32 to index
        %get3A_530 = arith.constant 0 : index
        %get3A_531 = tpu.vector_load %arg12[%get3A_527, %get3A_528, %get3A_529, %get3A_530] {strides = array<i32>} : memref<2x3x100x64xf32, #tpu.memory_space<vmem>>, vector<1x1x1x16xf32>,
        %get3A_532 = vector.shape_cast %get3A_531 : vector<1x1x1x16xf32> to vector<16xf32>
        %add3A_533 = arith.addf %add3A_453, %get3A_532 : vector<16xf32>
        %add3A_534 = arith.constant 50 : i32
        %add3A_535 = arith.addi %add3A_534, %scan3A_357 : i32
        %get3A_536 = arith.constant 1 : i32
        %get3A_537 = arith.constant 2 : i32
        %get3A_538 = arith.index_cast %get3A_536 : i32 to index
        %get3A_539 = arith.index_cast %get3A_537 : i32 to index
        %get3A_540 = arith.index_cast %add3A_535 : i32 to index
        %get3A_541 = arith.constant 0 : index
        %get3A_542 = tpu.vector_load %arg12[%get3A_538, %get3A_539, %get3A_540, %get3A_541] {strides = array<i32>} : memref<2x3x100x64xf32, #tpu.memory_space<vmem>>, vector<1x1x1x16xf32>,
        %get3A_543 = vector.shape_cast %get3A_542 : vector<1x1x1x16xf32> to vector<16xf32>
        %add3A_544 = arith.addf %add3A_464, %get3A_543 : vector<16xf32>
        %get3A_545 = arith.constant 1 : i32
        %get3A_546 = arith.constant 2 : i32
        %get3A_547 = arith.index_cast %get3A_545 : i32 to index
        %get3A_548 = arith.index_cast %get3A_546 : i32 to index
        %get3A_549 = arith.index_cast %scan3A_357 : i32 to index
        %get3A_550 = arith.constant 16 : index
        %get3A_551 = tpu.vector_load %arg12[%get3A_547, %get3A_548, %get3A_549, %get3A_550] {strides = array<i32>} : memref<2x3x100x64xf32, #tpu.memory_space<vmem>>, vector<1x1x1x16xf32>,
        %get3A_552 = vector.shape_cast %get3A_551 : vector<1x1x1x16xf32> to vector<16xf32>
        %add3A_553 = arith.addf %add3A_473, %get3A_552 : vector<16xf32>
        %add3A_554 = arith.constant 50 : i32
        %add3A_555 = arith.addi %add3A_554, %scan3A_357 : i32
        %get3A_556 = arith.constant 1 : i32
        %get3A_557 = arith.constant 2 : i32
        %get3A_558 = arith.index_cast %get3A_556 : i32 to index
        %get3A_559 = arith.index_cast %get3A_557 : i32 to index
        %get3A_560 = arith.index_cast %add3A_555 : i32 to index
        %get3A_561 = arith.constant 16 : index
        %get3A_562 = tpu.vector_load %arg12[%get3A_558, %get3A_559, %get3A_560, %get3A_561] {strides = array<i32>} : memref<2x3x100x64xf32, #tpu.memory_space<vmem>>, vector<1x1x1x16xf32>,
        %get3A_563 = vector.shape_cast %get3A_562 : vector<1x1x1x16xf32> to vector<16xf32>
        %add3A_564 = arith.addf %add3A_484, %get3A_563 : vector<16xf32>
        %get3A_565 = arith.constant 1 : i32
        %get3A_566 = arith.constant 2 : i32
        %get3A_567 = arith.index_cast %get3A_565 : i32 to index
        %get3A_568 = arith.index_cast %get3A_566 : i32 to index
        %get3A_569 = arith.index_cast %scan3A_357 : i32 to index
        %get3A_570 = arith.constant 32 : index
        %get3A_571 = tpu.vector_load %arg12[%get3A_567, %get3A_568, %get3A_569, %get3A_570] {strides = array<i32>} : memref<2x3x100x64xf32, #tpu.memory_space<vmem>>, vector<1x1x1x16xf32>,
        %get3A_572 = vector.shape_cast %get3A_571 : vector<1x1x1x16xf32> to vector<16xf32>
        %add3A_573 = arith.addf %add3A_493, %get3A_572 : vector<16xf32>
        %add3A_574 = arith.constant 50 : i32
        %add3A_575 = arith.addi %add3A_574, %scan3A_357 : i32
        %get3A_576 = arith.constant 1 : i32
        %get3A_577 = arith.constant 2 : i32
        %get3A_578 = arith.index_cast %get3A_576 : i32 to index
        %get3A_579 = arith.index_cast %get3A_577 : i32 to index
        %get3A_580 = arith.index_cast %add3A_575 : i32 to index
        %get3A_581 = arith.constant 32 : index
        %get3A_582 = tpu.vector_load %arg12[%get3A_578, %get3A_579, %get3A_580, %get3A_581] {strides = array<i32>} : memref<2x3x100x64xf32, #tpu.memory_space<vmem>>, vector<1x1x1x16xf32>,
        %get3A_583 = vector.shape_cast %get3A_582 : vector<1x1x1x16xf32> to vector<16xf32>
        %add3A_584 = arith.addf %add3A_504, %get3A_583 : vector<16xf32>
        %get3A_585 = arith.constant 1 : i32
        %get3A_586 = arith.constant 2 : i32
        %get3A_587 = arith.index_cast %get3A_585 : i32 to index
        %get3A_588 = arith.index_cast %get3A_586 : i32 to index
        %get3A_589 = arith.index_cast %scan3A_357 : i32 to index
        %get3A_590 = arith.constant 48 : index
        %get3A_591 = tpu.vector_load %arg12[%get3A_587, %get3A_588, %get3A_589, %get3A_590] {strides = array<i32>} : memref<2x3x100x64xf32, #tpu.memory_space<vmem>>, vector<1x1x1x16xf32>,
        %get3A_592 = vector.shape_cast %get3A_591 : vector<1x1x1x16xf32> to vector<16xf32>
        %add3A_593 = arith.addf %add3A_513, %get3A_592 : vector<16xf32>
        %add3A_594 = arith.constant 50 : i32
        %add3A_595 = arith.addi %add3A_594, %scan3A_357 : i32
        %get3A_596 = arith.constant 1 : i32
        %get3A_597 = arith.constant 2 : i32
        %get3A_598 = arith.index_cast %get3A_596 : i32 to index
        %get3A_599 = arith.index_cast %get3A_597 : i32 to index
        %get3A_600 = arith.index_cast %add3A_595 : i32 to index
        %get3A_601 = arith.constant 48 : index
        %get3A_602 = tpu.vector_load %arg12[%get3A_598, %get3A_599, %get3A_600, %get3A_601] {strides = array<i32>} : memref<2x3x100x64xf32, #tpu.memory_space<vmem>>, vector<1x1x1x16xf32>,
        %get3A_603 = vector.shape_cast %get3A_602 : vector<1x1x1x16xf32> to vector<16xf32>
        %add3A_604 = arith.addf %add3A_524, %get3A_603 : vector<16xf32>
        scf.yield %add3A_533, %add3A_553, %add3A_573, %add3A_593, %add3A_544, %add3A_564, %add3A_584, %add3A_604 : vector<16xf32>, vector<16xf32>, vector<16xf32>, vector<16xf32>, vector<16xf32>, vector<16xf32>, vector<16xf32>, vector<16xf32>
      }
      %scan3A_284 = arith.constant 50 : i32
      %mul3A_285 = arith.constant 2 : i32
      %mul3A_286 = arith.muli %mul3A_285, %add3A_223 : i32
      %swap3A_287 = arith.index_cast %mul3A_286 : i32 to index
      %swap3A_288 = arith.constant 0 : index
      %swap3A_289 = tpu.vector_load %arg13[%swap3A_287, %swap3A_288] {strides = array<i32>} : memref<128x64xf32, #tpu.memory_space<vmem>>, vector<1x16xf32>,
      %swap3A_290 = vector.shape_cast %swap3A_289 : vector<1x16xf32> to vector<16xf32>
      %swap3A_291 = vector.shape_cast %scan3A_283#0 : vector<16xf32> to vector<1x16xf32>
      tpu.vector_store %arg13[%swap3A_287, %swap3A_288], %swap3A_291 {strides = array<i32>} : memref<128x64xf32, #tpu.memory_space<vmem>>, vector<1x16xf32>,
      %mul3A_292 = arith.constant 2 : i32
      %mul3A_293 = arith.muli %mul3A_292, %add3A_223 : i32
      %add3A_294 = arith.constant 1 : i32
      %add3A_295 = arith.addi %mul3A_293, %add3A_294 : i32
      %swap3A_296 = arith.index_cast %add3A_295 : i32 to index
      %swap3A_297 = arith.constant 0 : index
      %swap3A_298 = tpu.vector_load %arg13[%swap3A_296, %swap3A_297] {strides = array<i32>} : memref<128x64xf32, #tpu.memory_space<vmem>>, vector<1x16xf32>,
      %swap3A_299 = vector.shape_cast %swap3A_298 : vector<1x16xf32> to vector<16xf32>
      %swap3A_300 = vector.shape_cast %scan3A_283#4 : vector<16xf32> to vector<1x16xf32>
      tpu.vector_store %arg13[%swap3A_296, %swap3A_297], %swap3A_300 {strides = array<i32>} : memref<128x64xf32, #tpu.memory_space<vmem>>, vector<1x16xf32>,
      %mul3A_301 = arith.constant 2 : i32
      %mul3A_302 = arith.muli %mul3A_301, %add3A_223 : i32
      %swap3A_303 = arith.index_cast %mul3A_302 : i32 to index
      %swap3A_304 = arith.constant 16 : index
      %swap3A_305 = tpu.vector_load %arg13[%swap3A_303, %swap3A_304] {strides = array<i32>} : memref<128x64xf32, #tpu.memory_space<vmem>>, vector<1x16xf32>,
      %swap3A_306 = vector.shape_cast %swap3A_305 : vector<1x16xf32> to vector<16xf32>
      %swap3A_307 = vector.shape_cast %scan3A_283#1 : vector<16xf32> to vector<1x16xf32>
      tpu.vector_store %arg13[%swap3A_303, %swap3A_304], %swap3A_307 {strides = array<i32>} : memref<128x64xf32, #tpu.memory_space<vmem>>, vector<1x16xf32>,
      %mul3A_308 = arith.constant 2 : i32
      %mul3A_309 = arith.muli %mul3A_308, %add3A_223 : i32
      %add3A_310 = arith.constant 1 : i32
      %add3A_311 = arith.addi %mul3A_309, %add3A_310 : i32
      %swap3A_312 = arith.index_cast %add3A_311 : i32 to index
      %swap3A_313 = arith.constant 16 : index
      %swap3A_314 = tpu.vector_load %arg13[%swap3A_312, %swap3A_313] {strides = array<i32>} : memref<128x64xf32, #tpu.memory_space<vmem>>, vector<1x16xf32>,
      %swap3A_315 = vector.shape_cast %swap3A_314 : vector<1x16xf32> to vector<16xf32>
      %swap3A_316 = vector.shape_cast %scan3A_283#5 : vector<16xf32> to vector<1x16xf32>
      tpu.vector_store %arg13[%swap3A_312, %swap3A_313], %swap3A_316 {strides = array<i32>} : memref<128x64xf32, #tpu.memory_space<vmem>>, vector<1x16xf32>,
      %mul3A_317 = arith.constant 2 : i32
      %mul3A_318 = arith.muli %mul3A_317, %add3A_223 : i32
      %swap3A_319 = arith.index_cast %mul3A_318 : i32 to index
      %swap3A_320 = arith.constant 32 : index
      %swap3A_321 = tpu.vector_load %arg13[%swap3A_319, %swap3A_320] {strides = array<i32>} : memref<128x64xf32, #tpu.memory_space<vmem>>, vector<1x16xf32>,
      %swap3A_322 = vector.shape_cast %swap3A_321 : vector<1x16xf32> to vector<16xf32>
      %swap3A_323 = vector.shape_cast %scan3A_283#2 : vector<16xf32> to vector<1x16xf32>
      tpu.vector_store %arg13[%swap3A_319, %swap3A_320], %swap3A_323 {strides = array<i32>} : memref<128x64xf32, #tpu.memory_space<vmem>>, vector<1x16xf32>,
      %mul3A_324 = arith.constant 2 : i32
      %mul3A_325 = arith.muli %mul3A_324, %add3A_223 : i32
      %add3A_326 = arith.constant 1 : i32
      %add3A_327 = arith.addi %mul3A_325, %add3A_326 : i32
      %swap3A_328 = arith.index_cast %add3A_327 : i32 to index
      %swap3A_329 = arith.constant 32 : index
      %swap3A_330 = tpu.vector_load %arg13[%swap3A_328, %swap3A_329] {strides = array<i32>} : memref<128x64xf32, #tpu.memory_space<vmem>>, vector<1x16xf32>,
      %swap3A_331 = vector.shape_cast %swap3A_330 : vector<1x16xf32> to vector<16xf32>
      %swap3A_332 = vector.shape_cast %scan3A_283#6 : vector<16xf32> to vector<1x16xf32>
      tpu.vector_store %arg13[%swap3A_328, %swap3A_329], %swap3A_332 {strides = array<i32>} : memref<128x64xf32, #tpu.memory_space<vmem>>, vector<1x16xf32>,
      %mul3A_333 = arith.constant 2 : i32
      %mul3A_334 = arith.muli %mul3A_333, %add3A_223 : i32
      %swap3A_335 = arith.index_cast %mul3A_334 : i32 to index
      %swap3A_336 = arith.constant 48 : index
      %swap3A_337 = tpu.vector_load %arg13[%swap3A_335, %swap3A_336] {strides = array<i32>} : memref<128x64xf32, #tpu.memory_space<vmem>>, vector<1x16xf32>,
      %swap3A_338 = vector.shape_cast %swap3A_337 : vector<1x16xf32> to vector<16xf32>
      %swap3A_339 = vector.shape_cast %scan3A_283#3 : vector<16xf32> to vector<1x16xf32>
      tpu.vector_store %arg13[%swap3A_335, %swap3A_336], %swap3A_339 {strides = array<i32>} : memref<128x64xf32, #tpu.memory_space<vmem>>, vector<1x16xf32>,
      %mul3A_340 = arith.constant 2 : i32
      %mul3A_341 = arith.muli %mul3A_340, %add3A_223 : i32
      %add3A_342 = arith.constant 1 : i32
      %add3A_343 = arith.addi %mul3A_341, %add3A_342 : i32
      %swap3A_344 = arith.index_cast %add3A_343 : i32 to index
      %swap3A_345 = arith.constant 48 : index
      %swap3A_346 = tpu.vector_load %arg13[%swap3A_344, %swap3A_345] {strides = array<i32>} : memref<128x64xf32, #tpu.memory_space<vmem>>, vector<1x16xf32>,
      %swap3A_347 = vector.shape_cast %swap3A_346 : vector<1x16xf32> to vector<16xf32>
      %swap3A_348 = vector.shape_cast %scan3A_283#7 : vector<16xf32> to vector<1x16xf32>
      tpu.vector_store %arg13[%swap3A_344, %swap3A_345], %swap3A_348 {strides = array<i32>} : memref<128x64xf32, #tpu.memory_space<vmem>>, vector<1x16xf32>,
      %add3A_349 = arith.constant 2 : i32
      %add3A_350 = arith.addi %add3A_223, %add3A_349 : i32
      %lt3A_351 = arith.constant 64 : i32
      %lt3A_352 = arith.cmpi slt, %add3A_350, %lt3A_351 : i32
      %convert_element_type3A_353 = arith.extui %lt3A_352 : i1 to i32
      %cond3A_354 = arith.constant 0 : i32
      %cond3A_355 = arith.cmpi ne, %convert_element_type3A_353, %cond3A_354 : i32
      scf.if %cond3A_355 {
        %add3A_357 = arith.constant 2 : i32
        %add3A_358 = arith.addi %add3A_223, %add3A_357 : i32
        %dma_start3A_359 = arith.constant 1 : i32
        %dma_start3A_360 = arith.constant 0 : i32
        %dma_start3A_361 = arith.constant 0 : i32
        %dma_start3A_362 = arith.constant 0 : i32
        %dma_start3A_363 = tpu.memref_slice %arg12[%dma_start3A_359, %dma_start3A_360, %dma_start3A_361, %dma_start3A_362] : memref<2x3x100x64xf32, #tpu.memory_space<vmem>> -> memref<1x1x100x64xf32, #tpu.memory_space<vmem>>
        %dma_start3A_364 = tpu.memref_squeeze %dma_start3A_363 : memref<1x1x100x64xf32, #tpu.memory_space<vmem>> -> memref<100x64xf32, #tpu.memory_space<vmem>>
        %dma_start3A_365 = arith.constant 0 : i32
        %dma_start3A_366 = tpu.memref_slice %arg9[%add3A_358, %dma_start3A_365] : memref<64x100xi32, #tpu.memory_space<vmem>> -> memref<1x100xi32, #tpu.memory_space<vmem>>
        %dma_start3A_367 = tpu.memref_squeeze %dma_start3A_366 : memref<1x100xi32, #tpu.memory_space<vmem>> -> memref<100xi32, #tpu.memory_space<vmem>>
        %dma_start3A_368 = arith.constant 0 : i32
        %dma_start3A_369 = arith.constant 0 : i32
        %dma_start3A_370 = tpu.memref_slice %arg5[%dma_start3A_368, %dma_start3A_369] : memref<100000x64xf32, #tpu.memory_space<hbm>> -> memref<100000x64xf32, #tpu.memory_space<hbm>>
        tpu.enqueue_indirect_dma source(%dma_start3A_370 : memref<100000x64xf32, #tpu.memory_space<hbm>>) target(%dma_start3A_364 : memref<100x64xf32, #tpu.memory_space<vmem>>) offsets(%dma_start3A_367 : memref<100xi32, #tpu.memory_space<vmem>>) semaphore(%arg15 : memref<!tpu.dma_semaphore, #tpu.memory_space<semaphore_mem>>)
        %dma_start3A_371 = arith.constant 1 : i32
        %dma_start3A_372 = arith.constant 1 : i32
        %dma_start3A_373 = arith.constant 0 : i32
        %dma_start3A_374 = arith.constant 0 : i32
        %dma_start3A_375 = tpu.memref_slice %arg12[%dma_start3A_371, %dma_start3A_372, %dma_start3A_373, %dma_start3A_374] : memref<2x3x100x64xf32, #tpu.memory_space<vmem>> -> memref<1x1x100x64xf32, #tpu.memory_space<vmem>>
        %dma_start3A_376 = tpu.memref_squeeze %dma_start3A_375 : memref<1x1x100x64xf32, #tpu.memory_space<vmem>> -> memref<100x64xf32, #tpu.memory_space<vmem>>
        %dma_start3A_377 = arith.constant 0 : i32
        %dma_start3A_378 = tpu.memref_slice %arg10[%add3A_358, %dma_start3A_377] : memref<64x100xi32, #tpu.memory_space<vmem>> -> memref<1x100xi32, #tpu.memory_space<vmem>>
        %dma_start3A_379 = tpu.memref_squeeze %dma_start3A_378 : memref<1x100xi32, #tpu.memory_space<vmem>> -> memref<100xi32, #tpu.memory_space<vmem>>
        %dma_start3A_380 = arith.constant 0 : i32
        %dma_start3A_381 = arith.constant 0 : i32
        %dma_start3A_382 = tpu.memref_slice %arg6[%dma_start3A_380, %dma_start3A_381] : memref<100000x64xf32, #tpu.memory_space<hbm>> -> memref<100000x64xf32, #tpu.memory_space<hbm>>
        tpu.enqueue_indirect_dma source(%dma_start3A_382 : memref<100000x64xf32, #tpu.memory_space<hbm>>) target(%dma_start3A_376 : memref<100x64xf32, #tpu.memory_space<vmem>>) offsets(%dma_start3A_379 : memref<100xi32, #tpu.memory_space<vmem>>) semaphore(%arg15 : memref<!tpu.dma_semaphore, #tpu.memory_space<semaphore_mem>>)
        %dma_start3A_383 = arith.constant 1 : i32
        %dma_start3A_384 = arith.constant 2 : i32
        %dma_start3A_385 = arith.constant 0 : i32
        %dma_start3A_386 = arith.constant 0 : i32
        %dma_start3A_387 = tpu.memref_slice %arg12[%dma_start3A_383, %dma_start3A_384, %dma_start3A_385, %dma_start3A_386] : memref<2x3x100x64xf32, #tpu.memory_space<vmem>> -> memref<1x1x100x64xf32, #tpu.memory_space<vmem>>
        %dma_start3A_388 = tpu.memref_squeeze %dma_start3A_387 : memref<1x1x100x64xf32, #tpu.memory_space<vmem>> -> memref<100x64xf32, #tpu.memory_space<vmem>>
        %dma_start3A_389 = arith.constant 0 : i32
        %dma_start3A_390 = tpu.memref_slice %arg11[%add3A_358, %dma_start3A_389] : memref<64x100xi32, #tpu.memory_space<vmem>> -> memref<1x100xi32, #tpu.memory_space<vmem>>
        %dma_start3A_391 = tpu.memref_squeeze %dma_start3A_390 : memref<1x100xi32, #tpu.memory_space<vmem>> -> memref<100xi32, #tpu.memory_space<vmem>>
        %dma_start3A_392 = arith.constant 0 : i32
        %dma_start3A_393 = arith.constant 0 : i32
        %dma_start3A_394 = tpu.memref_slice %arg7[%dma_start3A_392, %dma_start3A_393] : memref<1000x64xf32, #tpu.memory_space<hbm>> -> memref<1000x64xf32, #tpu.memory_space<hbm>>
        tpu.enqueue_indirect_dma source(%dma_start3A_394 : memref<1000x64xf32, #tpu.memory_space<hbm>>) target(%dma_start3A_388 : memref<100x64xf32, #tpu.memory_space<vmem>>) offsets(%dma_start3A_391 : memref<100xi32, #tpu.memory_space<vmem>>) semaphore(%arg15 : memref<!tpu.dma_semaphore, #tpu.memory_space<semaphore_mem>>)
      } else {
      }
      %scan3A_356 = arith.constant 0 : i32
      scf.yield %scan3A_356 : i32
    }
    %scan3A_85 = arith.constant 32 : i32
    %mul3A_86 = arith.constant 128 : i32
    %mul3A_87 = arith.muli %add3A, %mul3A_86 : i32
    "tpu.region"() ({
      %run_scoped3A = tpu.sem_alloc : memref<!tpu.dma_semaphore, #tpu.memory_space<semaphore_mem>>
      %dma_start3A_88 = arith.constant 0 : i32
      %dma_start3A_89 = tpu.memref_slice %arg8[%mul3A_87, %dma_start3A_88] : memref<4096x64xf32, #tpu.memory_space<hbm>> -> memref<128x64xf32, #tpu.memory_space<hbm>>
      %dma_start3A_90 = arith.constant 0 : i32
      %dma_start3A_91 = tpu.memref_slice %arg8[%mul3A_87, %dma_start3A_90] : memref<4096x64xf32, #tpu.memory_space<hbm>> -> memref<128x64xf32, #tpu.memory_space<hbm>>
      tpu.enqueue_dma source(%arg13 : memref<128x64xf32, #tpu.memory_space<vmem>>) target(%dma_start3A_91 : memref<128x64xf32, #tpu.memory_space<hbm>>) target_semaphore(%run_scoped3A : memref<!tpu.dma_semaphore, #tpu.memory_space<semaphore_mem>>)
      %dma_wait3A = arith.constant 0 : i32
      %dma_wait3A_92 = tpu.memref_slice %arg8[%mul3A_87, %dma_wait3A] : memref<4096x64xf32, #tpu.memory_space<hbm>> -> memref<128x64xf32, #tpu.memory_space<hbm>>
      %dma_wait3A_93 = arith.constant 0 : i32
      %dma_wait3A_94 = tpu.memref_slice %arg8[%mul3A_87, %dma_wait3A_93] : memref<4096x64xf32, #tpu.memory_space<hbm>> -> memref<128x64xf32, #tpu.memory_space<hbm>>
      tpu.wait_dma2 semaphore(%run_scoped3A : memref<!tpu.dma_semaphore, #tpu.memory_space<semaphore_mem>>) src(%arg13 : memref<128x64xf32, #tpu.memory_space<vmem>>) dst(%dma_wait3A_94 : memref<128x64xf32, #tpu.memory_space<hbm>>)
      tpu.yield
    }) : () -> ()
    return
  }
}

module attributes {stable_mosaic.version = 14 : i64} {
  func.func @_fold_body(%arg0: i32, %arg1: memref<5000x128xf32, #tpu.memory_space<vmem>>, %arg2: memref<128x64xf32, #tpu.memory_space<vmem>>, %arg3: memref<5000x64xf32, #tpu.memory_space<vmem>>) attributes {dimension_semantics = [#tpu.dimension_semantics<arbitrary>], iteration_bounds = array<i64: 20>, scalar_prefetch = 0 : i64, scratch_operands = 0 : i64, tpu.core_type = #tpu.core_type<tc>, window_params = [{transform_indices = @transform_0, window_bounds = array<i64: 5000, 128>}, {pipeline_mode = #tpu.pipeline_mode<synchronous>, transform_indices = @transform_1, window_bounds = array<i64: 128, 64>}, {transform_indices = @transform_2, window_bounds = array<i64: 5000, 64>}]} {
    %get3A = arith.constant 0 : index
    %get3A_0 = arith.constant 0 : index
    %get3A_1 = vector.load %arg1[%get3A, %get3A_0] : memref<5000x128xf32, #tpu.memory_space<vmem>>, vector<5000x128xf32>
    %get3A_2 = arith.constant 0 : index
    %get3A_3 = arith.constant 0 : index
    %get3A_4 = vector.load %arg2[%get3A_2, %get3A_3] : memref<128x64xf32, #tpu.memory_space<vmem>>, vector<128x64xf32>
    %dot_general3A = arith.constant dense<0.000000e+00> : vector<5000x64xf32>
    %dot_general3A_5 = tpu.matmul %get3A_1, %get3A_4, %dot_general3A {dimension_numbers = #tpu.dot_dimension_numbers<[1], [0], [0], [1], [0, 0, 1, 1], [], []>, transpose_lhs_hint = false} : vector<5000x128xf32>, vector<128x64xf32>, vector<5000x64xf32> -> vector<5000x64xf32>
    %swap3A = arith.constant 0 : index
    %swap3A_6 = arith.constant 0 : index
    %swap3A_7 = vector.load %arg3[%swap3A, %swap3A_6] : memref<5000x64xf32, #tpu.memory_space<vmem>>, vector<5000x64xf32>
    tpu.vector_store %arg3[%swap3A, %swap3A_6], %dot_general3A_5 {strides = array<i32>} : memref<5000x64xf32, #tpu.memory_space<vmem>>, vector<5000x64xf32>,
    return
  }
  func.func @transform_0(%arg0: i32) -> (i32, i32) {
    %c0_i32 = arith.constant 0 : i32
    %c0_i32_0 = arith.constant 0 : i32
    return %arg0, %c0_i32 : i32, i32
  }
  func.func @transform_1(%arg0: i32) -> (i32, i32) {
    %c0_i32 = arith.constant 0 : i32
    %c0_i32_0 = arith.constant 0 : i32
    %c0_i32_1 = arith.constant 0 : i32
    return %c0_i32, %c0_i32_0 : i32, i32
  }
  func.func @transform_2(%arg0: i32) -> (i32, i32) {
    %c0_i32 = arith.constant 0 : i32
    %c0_i32_0 = arith.constant 0 : i32
    return %arg0, %c0_i32 : i32, i32
  }
}

module attributes {stable_mosaic.version = 14 : i64} {
  func.func @_fold_body(%arg0: i32, %arg1: memref<1000x128xf32, #tpu.memory_space<vmem>>, %arg2: memref<128x64xf32, #tpu.memory_space<vmem>>, %arg3: memref<1000x64xf32, #tpu.memory_space<vmem>>) attributes {dimension_semantics = [#tpu.dimension_semantics<arbitrary>], iteration_bounds = array<i64: 1>, scalar_prefetch = 0 : i64, scratch_operands = 0 : i64, tpu.core_type = #tpu.core_type<tc>, window_params = [{transform_indices = @transform_0, window_bounds = array<i64: 1000, 128>}, {pipeline_mode = #tpu.pipeline_mode<synchronous>, transform_indices = @transform_1, window_bounds = array<i64: 128, 64>}, {transform_indices = @transform_2, window_bounds = array<i64: 1000, 64>}]} {
    %get3A = arith.constant 0 : index
    %get3A_0 = arith.constant 0 : index
    %get3A_1 = vector.load %arg1[%get3A, %get3A_0] : memref<1000x128xf32, #tpu.memory_space<vmem>>, vector<1000x128xf32>
    %get3A_2 = arith.constant 0 : index
    %get3A_3 = arith.constant 0 : index
    %get3A_4 = vector.load %arg2[%get3A_2, %get3A_3] : memref<128x64xf32, #tpu.memory_space<vmem>>, vector<128x64xf32>
    %dot_general3A = arith.constant dense<0.000000e+00> : vector<1000x64xf32>
    %dot_general3A_5 = tpu.matmul %get3A_1, %get3A_4, %dot_general3A {dimension_numbers = #tpu.dot_dimension_numbers<[1], [0], [0], [1], [0, 0, 1, 1], [], []>, transpose_lhs_hint = false} : vector<1000x128xf32>, vector<128x64xf32>, vector<1000x64xf32> -> vector<1000x64xf32>
    %swap3A = arith.constant 0 : index
    %swap3A_6 = arith.constant 0 : index
    %swap3A_7 = vector.load %arg3[%swap3A, %swap3A_6] : memref<1000x64xf32, #tpu.memory_space<vmem>>, vector<1000x64xf32>
    tpu.vector_store %arg3[%swap3A, %swap3A_6], %dot_general3A_5 {strides = array<i32>} : memref<1000x64xf32, #tpu.memory_space<vmem>>, vector<1000x64xf32>,
    return
  }
  func.func @transform_0(%arg0: i32) -> (i32, i32) {
    %c0_i32 = arith.constant 0 : i32
    %c0_i32_0 = arith.constant 0 : i32
    return %arg0, %c0_i32 : i32, i32
  }
  func.func @transform_1(%arg0: i32) -> (i32, i32) {
    %c0_i32 = arith.constant 0 : i32
    %c0_i32_0 = arith.constant 0 : i32
    %c0_i32_1 = arith.constant 0 : i32
    return %c0_i32, %c0_i32_0 : i32, i32
  }
  func.func @transform_2(%arg0: i32) -> (i32, i32) {
    %c0_i32 = arith.constant 0 : i32
    %c0_i32_0 = arith.constant 0 : i32
    return %arg0, %c0_i32 : i32, i32
  }
}

module attributes {stable_mosaic.version = 14 : i64} {
  func.func @_tail_body(%arg0: i32, %arg1: memref<512x64xf32, #tpu.memory_space<vmem>>, %arg2: memref<1x64xf32, #tpu.memory_space<vmem>>, %arg3: memref<64x1000xf32, #tpu.memory_space<vmem>>, %arg4: memref<1x1000xf32, #tpu.memory_space<vmem>>, %arg5: memref<512x1000xf32, #tpu.memory_space<vmem>>) attributes {dimension_semantics = [#tpu.dimension_semantics<arbitrary>], iteration_bounds = array<i64: 8>, scalar_prefetch = 0 : i64, scratch_operands = 0 : i64, tpu.core_type = #tpu.core_type<tc>, window_params = [{transform_indices = @transform_0, window_bounds = array<i64: 512, 64>}, {pipeline_mode = #tpu.pipeline_mode<synchronous>, transform_indices = @transform_1, window_bounds = array<i64: 1, 64>}, {pipeline_mode = #tpu.pipeline_mode<synchronous>, transform_indices = @transform_2, window_bounds = array<i64: 64, 1000>}, {pipeline_mode = #tpu.pipeline_mode<synchronous>, transform_indices = @transform_3, window_bounds = array<i64: 1, 1000>}, {transform_indices = @transform_4, window_bounds = array<i64: 512, 1000>}]} {
    %get3A = arith.constant 0 : index
    %get3A_0 = arith.constant 0 : index
    %get3A_1 = vector.load %arg1[%get3A, %get3A_0] : memref<512x64xf32, #tpu.memory_space<vmem>>, vector<512x64xf32>
    %get3A_2 = arith.constant 0 : index
    %get3A_3 = arith.constant 0 : index
    %get3A_4 = vector.load %arg2[%get3A_2, %get3A_3] : memref<1x64xf32, #tpu.memory_space<vmem>>, vector<1x64xf32>
    %add3A = vector.broadcast %get3A_4 : vector<1x64xf32> to vector<512x64xf32>
    %add3A_5 = arith.addf %get3A_1, %add3A : vector<512x64xf32>
    %max3A = arith.constant 0.000000e+00 : f32
    %max3A_6 = vector.broadcast %max3A : f32 to vector<512x64xf32>
    %max3A_7 = arith.maximumf %add3A_5, %max3A_6 : vector<512x64xf32>
    %get3A_8 = arith.constant 0 : index
    %get3A_9 = arith.constant 0 : index
    %get3A_10 = vector.load %arg3[%get3A_8, %get3A_9] : memref<64x1000xf32, #tpu.memory_space<vmem>>, vector<64x1000xf32>
    %dot_general3A = arith.constant dense<0.000000e+00> : vector<512x1000xf32>
    %dot_general3A_11 = tpu.matmul %max3A_7, %get3A_10, %dot_general3A {dimension_numbers = #tpu.dot_dimension_numbers<[1], [0], [0], [1], [0, 0, 1, 1], [], []>, transpose_lhs_hint = false} : vector<512x64xf32>, vector<64x1000xf32>, vector<512x1000xf32> -> vector<512x1000xf32>
    %get3A_12 = arith.constant 0 : index
    %get3A_13 = arith.constant 0 : index
    %get3A_14 = vector.load %arg4[%get3A_12, %get3A_13] : memref<1x1000xf32, #tpu.memory_space<vmem>>, vector<1x1000xf32>
    %add3A_15 = vector.broadcast %get3A_14 : vector<1x1000xf32> to vector<512x1000xf32>
    %add3A_16 = arith.addf %dot_general3A_11, %add3A_15 : vector<512x1000xf32>
    %logistic3A = arith.negf %add3A_16 : vector<512x1000xf32>
    %logistic3A_17 = math.exp %logistic3A : vector<512x1000xf32>
    %logistic3A_18 = arith.constant 1.000000e+00 : f32
    %logistic3A_19 = vector.broadcast %logistic3A_18 : f32 to vector<512x1000xf32>
    %logistic3A_20 = arith.addf %logistic3A_19, %logistic3A_17 : vector<512x1000xf32>
    %logistic3A_21 = arith.divf %logistic3A_19, %logistic3A_20 : vector<512x1000xf32>
    %swap3A = arith.constant 0 : index
    %swap3A_22 = arith.constant 0 : index
    %swap3A_23 = vector.load %arg5[%swap3A, %swap3A_22] : memref<512x1000xf32, #tpu.memory_space<vmem>>, vector<512x1000xf32>
    tpu.vector_store %arg5[%swap3A, %swap3A_22], %logistic3A_21 {strides = array<i32>} : memref<512x1000xf32, #tpu.memory_space<vmem>>, vector<512x1000xf32>,
    return
  }
  func.func @transform_0(%arg0: i32) -> (i32, i32) {
    %c0_i32 = arith.constant 0 : i32
    %c0_i32_0 = arith.constant 0 : i32
    return %arg0, %c0_i32 : i32, i32
  }
  func.func @transform_1(%arg0: i32) -> (i32, i32) {
    %c0_i32 = arith.constant 0 : i32
    %c0_i32_0 = arith.constant 0 : i32
    %c0_i32_1 = arith.constant 0 : i32
    return %c0_i32, %c0_i32_0 : i32, i32
  }
  func.func @transform_2(%arg0: i32) -> (i32, i32) {
    %c0_i32 = arith.constant 0 : i32
    %c0_i32_0 = arith.constant 0 : i32
    %c0_i32_1 = arith.constant 0 : i32
    return %c0_i32, %c0_i32_0 : i32, i32
  }
  func.func @transform_3(%arg0: i32) -> (i32, i32) {
    %c0_i32 = arith.constant 0 : i32
    %c0_i32_0 = arith.constant 0 : i32
    %c0_i32_1 = arith.constant 0 : i32
    return %c0_i32, %c0_i32_0 : i32, i32
  }
  func.func @transform_4(%arg0: i32) -> (i32, i32) {
    %c0_i32 = arith.constant 0 : i32
    %c0_i32_0 = arith.constant 0 : i32
    return %arg0, %c0_i32 : i32, i32
  }
}

</mosaic_0001>

<sc_bundles>
// kernel: kernel.7.cloned.1.call-start
scs
__scs_entry_jumppad:
0x0: {  	(pc) =	sbr.rel $0x88, $3  }
0x1: {  	(tag) =	ssettag $0x0;
	lr =	simm.s32 $0x1  }
0x2: {  	[smem:$0x3F97] =	sst lr;
	_ =	strace $0xD0000000  }
0x3: {  	_ = 	snop  }
0x4: {  	_ = 	snop  }
0x5: {  	_ = 	snop  }
0x6: {  	_ = 	snop  }
0x7: {  	_ = 	snop  }
__scs_overlays_trampoline_lowered:
0x8: {  	[smem:$0x3FA6] =	sst s0  }
0x9: {  	[smem:$0x3FA7] =	sst s1  }
0xa: {  	[smem:$0x3FA8] =	sst s2  }
0xb: {  	[smem:$0x3FA9] =	sst s3  }
0xc: {  	[smem:$0x3FAA] =	sst s4  }
0xd: {  	[smem:$0x3FAB] =	sst s5  }
0xe: {  	[smem:$0x3FAC] =	sst s6  }
0xf: {  	[smem:$0x3FAD] =	sst s7  }
0x10: {  	[smem:$0x3FAE] =	sst s8  }
0x11: {  	[smem:$0x3FAF] =	sst s9;
	s0 =	simm.s32 @!p0 $0x0  }
0x12: {  	s1 =	sld [smem:$0x3F95];
	s0 =	simm.s32 @p0 $0x1  }
0x13: {  	[smem:$0x3FB0] =	sst s0;
	s0 =	simm.s32 @!p1 $0x0  }
0x14: {  	s2 =	sld [smem:$0x3F94];
	s0 =	simm.s32 @p1 $0x1  }
0x15: {  	[smem:$0x3FB1] =	sst s0;
	s0 =	simm.s32 @!p2 $0x0  }
0x16: {  	s3 =	sld [smem:$0x3FDB];
	s0 =	simm.s32 @p2 $0x1  }
0x17: {  	s4 =	simm.s32 $0x1BF5;
	[smem:$0x3FB3] =	sst s0  }
0x18: {  	s0 =	sld [smem:$0x3F96];
	_ =	swait.ge [sflag:s4], $0x0  }
0x19: {  	s7 =	sld [smem:$0x3F97]  }
0x1a: {  	s8 =	sadd.s32 $0xFFFFE003, lr  }
0x1b: {  	s9 =	sadd.s32 $0xFFFFFEF7, lr;
	s5 =	simm.s32 $0xFFFFFFFF;
	p2 =	slt.u32 s8, $0xFFFFF086  }
0x1c: {  	p1 =	slt.u32 s9, $0xF7A;
	s5 =	simm.s32 @!p2 $0x0  }
0x1d: {  	s5 =	simm.s32 @p1 $0x1;
	p0 =	seq.s32 s7, s2  }
0x1e: {  	s7 =	smul.u32 @!p0 $0xF7A, s2;
	p2 =	seq.s32 @!p0 s5, $0x0  }
0x1f: {  	s9 =	smul.u32 $0xF7A, s1;
	s8 =	simm.s32 @!p0 $0x1BF5;
	p2 =	por !p2, p0  }
0x20: {  	[sflag:s8] =	ssyncset.s32 @!p0 $0xFFFFF086;
	s6 =	sadd.s32 @!p0 s3, s7;
	s7 =	simm.s32 @!p0 $0x108  }
0x21: {  	s3 =	sadd.s32 s3, s9;
	s6 =	sadd.s32 @!p0 $0x88, s6;
	s7 =	simm.s32 @p2 $0x1082  }
0x22: {  	[simem:s7], [sflag:s8] =	dma.local @!p0 [hbm:s6], $0xF7A  }
0x23: {  	s9 =	sor.u32 $0xD0000000, s2;
	s6 =	simm.s32 $0x108;
	_ =	swait.ge @!p0 [sflag:s8], $0x0  }
0x24: {  	s3 =	sadd.s32 $0x88, s3;
	s6 =	simm.s32 @!p1 $0x1082;
	[sflag:s4] =	ssyncset.s32 $0xFFFFF086  }
0x25: {  	[simem:s6], [sflag:s4] =	dma.local [hbm:s3], $0xF7A  }
0x26: {  	[smem:$0x3F97] =	sst s1;
	(tag) =	ssettag s2;
	_ =	strace s9  }
0x27: {  	s1 =	sld [smem:$0x3FA7]  }
0x28: {  	s2 =	sld [smem:$0x3FA8]  }
0x29: {  	s4 =	sld [smem:$0x3FAA]  }
0x2a: {  	p0 =	seq.s32 s5, $0x0;
	s5 =	sld [smem:$0x3FAB]  }
0x2b: {  	s6 =	sld [smem:$0x3FAC]  }
0x2c: {  	s7 =	sld [smem:$0x3FAD]  }
0x2d: {  	s3 =	simm.s32 $0x108;
	s8 =	sld [smem:$0x3FAE]  }
0x2e: {  	s3 =	simm.s32 @!p0 $0x1082;
	s9 =	sld [smem:$0x3FAF]  }
0x2f: {  	lr =	sadd.s32 s0, s3;
	s0 =	sld [smem:$0x3FA6]  }
0x30: {  	s3 =	sld [smem:$0x3FA9]  }
0x31: {  	[smem:$0x3FB2] =	sst s10  }
0x32: {  	s10 =	sld [smem:$0x3FB0];
	_ =	sdelay $0x3  }
0x33: {  	p0 =	seq.s32 s10, $0x1;
	s10 =	sld [smem:$0x3FB2];
	_ =	sdelay $0x3  }
0x34: {  	[smem:$0x3FB2] =	sst s10  }
0x35: {  	s10 =	sld [smem:$0x3FB1];
	_ =	sdelay $0x3  }
0x36: {  	p1 =	seq.s32 s10, $0x1;
	s10 =	sld [smem:$0x3FB2];
	_ =	sdelay $0x3  }
0x37: {  	[smem:$0x3FB2] =	sst s10  }
0x38: {  	s10 =	sld [smem:$0x3FB3]  }
0x39: {  	_ = 	snop;
	(pc) =	sbr.ind lr, $3  }
0x3a: {  	_ = 	snop  }
0x3b: {  	_ = 	snop  }
0x3c: {  	p2 =	seq.s32 s10, $0x1;
	s10 =	sld [smem:$0x3FB2]  }
0x3d: {  	_ =	shalt  }
0x3e: {  	_ =	shalt  }
0x3f: {  	_ =	shalt  }
0x40: {  	_ =	shalt  }
0x41: {  	_ =	shalt  }
0x42: {  	_ =	shalt  }
0x43: {  	_ =	shalt  }
0x44: {  	_ =	shalt  }
0x45: {  	_ =	shalt  }
0x46: {  	_ =	shalt  }
0x47: {  	_ =	shalt  }
0x48: {  	_ =	shalt  }
0x49: {  	_ =	shalt  }
0x4a: {  	_ =	shalt  }
0x4b: {  	_ =	shalt  }
0x4c: {  	_ =	shalt  }
0x4d: {  	_ =	shalt  }
0x4e: {  	_ =	shalt  }
0x4f: {  	_ =	shalt  }
0x50: {  	_ =	shalt  }
0x51: {  	_ =	shalt  }
0x52: {  	_ =	shalt  }
0x53: {  	_ =	shalt  }
0x54: {  	_ =	shalt  }
0x55: {  	_ =	shalt  }
0x56: {  	_ =	shalt  }
0x57: {  	_ =	shalt  }
0x58: {  	_ =	shalt  }
0x59: {  	_ =	shalt  }
0x5a: {  	_ =	shalt  }
0x5b: {  	_ =	shalt  }
0x5c: {  	_ =	shalt  }
0x5d: {  	_ =	shalt  }
0x5e: {  	_ =	shalt  }
0x5f: {  	_ =	shalt  }
0x60: {  	_ =	shalt  }
0x61: {  	_ =	shalt  }
0x62: {  	_ =	shalt  }
0x63: {  	_ =	shalt  }
0x64: {  	_ =	shalt  }
0x65: {  	_ =	shalt  }
0x66: {  	_ =	shalt  }
0x67: {  	_ =	shalt  }
0x68: {  	_ =	shalt  }
0x69: {  	_ =	shalt  }
0x6a: {  	_ =	shalt  }
0x6b: {  	_ =	shalt  }
0x6c: {  	_ =	shalt  }
0x6d: {  	_ =	shalt  }
0x6e: {  	_ =	shalt  }
0x6f: {  	_ =	shalt  }
0x70: {  	_ =	shalt  }
0x71: {  	_ =	shalt  }
0x72: {  	_ =	shalt  }
0x73: {  	_ =	shalt  }
0x74: {  	_ =	shalt  }
0x75: {  	_ =	shalt  }
0x76: {  	_ =	shalt  }
0x77: {  	_ =	shalt  }
0x78: {  	_ =	shalt  }
0x79: {  	_ =	shalt  }
0x7a: {  	_ =	shalt  }
0x7b: {  	_ =	shalt  }
0x7c: {  	_ =	shalt  }
0x7d: {  	_ =	shalt  }
0x7e: {  	_ =	shalt  }
0x7f: {  	_ =	shalt  }
0x80: {  	_ =	shalt  }
0x81: {  	_ =	shalt  }
0x82: {  	_ =	shalt  }
0x83: {  	_ =	shalt  }
0x84: {  	_ =	shalt  }
0x85: {  	_ =	shalt  }
0x86: {  	_ =	shalt  }
0x87: {  	_ =	shalt  }
.Lfunc_end0:
.L_simem_size_0:
called_computation_lowered:
.L_overlay_start_0:
0x88: {  	s2 =	sld [smem:$0x3FD9]  }
0x89: {  	s3 =	sld [smem:$0x3FFE];
	_ =	sdelay $0x1  }
0x8a: {  	s1 =	srdreg.scid  }
0x8b: {  	s0 =	sand.u32 $0x1, s1  }
0x8c: {  	s17 =	sshll.u32 s0, $0xA;
	s2 =	sadd.s32 s3, s2  }
0x8d: {  	s2 =	sadd.s32 s2, s17  }
0x8e: {  	[smem:$0x3FBE] =	sst s2  }
0x8f: {  	_ = 	snop  }
0x90: {  	s2 =	sld [smem:$0x3FD0];
	(tm) =	ssettm $0x1  }
0x91: {  	s18 =	sld [smem:$0x3FFB];
	_ =	sdelay $0x3  }
0x92: {  	_ =	strace s18  }
0x93: {  	s3 =	sld [smem:$0x3FFC];
	_ =	sdelay $0x3  }
0x94: {  	_ =	strace s3  }
0x95: {  	s3 =	sld [smem:$0x3FFD];
	_ =	sdelay $0x3  }
0x96: {  	_ =	strace s3  }
0x97: {  	_ =	strace $0x8FFFFFFF  }
0x98: {  	s19 =	sld [smem:$0x3FDB];
	_ =	sdelay $0x1  }
0x99: {  	s4 =	simm.s32 $_scs_section_size  }
0x9a: {  	s5 =	simm.s32 $_size__tile_overlayer_lowered;
	s6 =	simm.s32 $_tile_overlayer_lowered  }
0x9b: {  	s22 =	simm.s32 $0x1BFF;
	s21 =	sshll.u32 s6, $0x1;
	s3 =	sadd.s32 s4, s19  }
0x9c: {  	s7 =	simm.s32 $0x0;
	s20 =	sshll.u32 s5, $0x1;
	s5 =	sadd.s32 s21, s3  }
0x9d: {  	[timem:s7], [sflag:s22] =	dma.local [hbm:s5], s20  }
0x9e: {  	_ =	swait.ge [sflag:s22], s20  }
0x9f: {  	s4 =	ssub.s32 $0x0, s20;
	[sflag:s22] =	ssyncset.done $0x0  }
0xa0: {  	[sflag:s22] =	ssyncadd.s32 s4;
	_ =	sdelay $0x1  }
0xa1: {  	s23 =	simm.s32 $0x1B8B  }
0xa2: {  	_ =	swait.ge [sflag:s23], $0x1  }
0xa3: {  	[sflag:s23] =	ssyncset.done $0x0  }
0xa4: {  	s25 =	simm.s32 $0x1B8E;
	s24 =	sld [smem:$0x3FFE];
	[sflag:s23] =	ssyncadd.s32 $0xFFFFFFFF  }
0xa5: {  	s26 =	simm.s32 $execute0_lowered;
	[smem:$0x3FD2] =	sst s25  }
0xa6: {  	s5 =	sshll.u32 s26, $0x1;
	_ =	strace $0x80000046;
	[dreg:$0x1] =	wrdreg $0xFFFFFFFF  }
0xa7: {  	s28 =	simm.s32 $_size_execute0_lowered;
	s3 =	sadd.s32 s3, s5;
	[dreg:$0x0] =	wrdreg $0x0  }
0xa8: {  	s5 =	sshll.u32 s28, $0x1;
	[dreg:$0x2] =	wrdreg s3  }
0xa9: {  	[dreg:$0x3] =	wrdreg s5  }
0xaa: {  	[dreg:$0x4] =	wrdreg $0xC0  }
0xab: {  	_ =	task [dreg:s7], $0x5FFFF  }
0xac: {  	[dreg:$0x1] =	wrdreg $0xFFFFFFFF  }
0xad: {  	[dreg:$0x0] =	wrdreg $0x60  }
0xae: {  	[dreg:$0x2] =	wrdreg s24  }
0xaf: {  	[dreg:$0x3] =	wrdreg s2  }
0xb0: {  	[dreg:$0x4] =	wrdreg $0x9  }
0xb1: {  	_ =	task.clear_ibuf [dreg:s7], $0x5FFFF;
	_ =	strace $0x90000046  }
0xb2: {  	s29 =	simm.s32 $0x9;
	_ =	strace $0x80000048  }
0xb3: {  	_ =	swait.ge [sflag:s29], $0x1  }
0xb4: {  	[sflag:s29] =	ssyncadd.s32 $0xFFFFFFFF  }
0xb5: {  	_ =	strace $0x90000048  }
0xb6: {  	_ =	sfence  }
0xb7: {  	s30 =	sld [smem:$0x0];
	_ =	sdelay $0x2  }
0xb8: {  	s31 =	sshll.u32 s1, $0xD;
	s1 =	sshrl.u32 s1, $0x2  }
0xb9: {  	s3 =	sand.u32 $0x4000, s31;
	s1 =	sadd.s32 s1, s30  }
0xba: {  	s0 =	sor.u32 s3, s0;
	s1 =	sshll.u32 s1, $0x11  }
0xbb: {  	s0 =	sor.u32 s1, s0  }
0xbc: {  	s0 =	sadd.s32 $0x8F2B, s0  }
0xbd: {  	[sflag:s0] =	ssyncadd.remote.s32 $0x1  }
0xbe: {  	_ =	sfence.sel $0xFFFF  }
0xbf: {  	[dreg:$0x0] =	wrdreg $0xFFFFFFFF;
	(pc) =	sbr.abs _section_cstart, $3  }
0xc0: {  	[dreg:$0x1] =	wrdreg $0xFFFFFFFF  }
0xc1: {  	_ =	task.clear_ibuf [dreg:s7], $0x2FFFF;
	_ =	strace $0x9FFFFFFF  }
0xc2: {  	(tm) =	ssettm $0x7FFFFFFF  }
0xc3: {  	_ =	shalt  }
tec
execute0_lowered:
.L_overlay_start_1:
0x0: {  	(tag) =	ssettag $0x1  }
0x1: {  	s1 =	rddreg [dreg:$0x0];
	s2 =	srdreg.scid  }
0x2: {  	s0 =	stileid.u32;
	s9 =	rddreg [dreg:$0x1];
	s11 =	simm.s32 $0x3  }
0x3: {  	s12 =	simm.s32 $0x1A00;
	s13 =	simm.s32 $0x3400;
	s14 =	simm.s32 $0x64  }
0x4: {  	s16 =	simm.s32 $0x6700;
	s17 =	simm.s32 $0x8000;
	s18 =	simm.s32 $0x68  }
0x5: {  	s19 =	simm.s32 $0x9900;
	s20 =	simm.s32 $0x1A68;
	s21 =	simm.s32 $0xB200  }
0x6: {  	s22 =	simm.s32 $0x3468;
	s23 =	simm.s32 $0xCB00;
	s24 =	simm.s32 $0x1  }
0x7: {  	s25 =	simm.s32 $0x2;
	s4 =	sand.u32 $0x1, s2;
	s3 =	sshll.u32 s0, $0x1  }
0x8: {  	s26 =	simm.s32 $0xE400;
	s2 =	simm.s32 $0x0;
	s7 =	sor.u32 s4, s3  }
0x9: {  	s28 =	simm.s32 $0x0;
	[smem:$0x7FF] =	sst s2;
	s3 =	smul.u32 $0x340, s7  }
.Ltmp0:
0xa: {  	s6 =	ssub.s32 $0x2, s4;
	s4 =	sadd.s32 $0x187E00, s1;
	(pc) =	sbr.rel .LBB2_1-.Ltmp0, $4  }
0xb: {  	s5 =	sadd.s32 $0x1400, s1;
	_ =	strace $0x80000047;
	s10 =	sshll.u32 s7, $0xA  }
0xc: {  	s31 =	sshrl.u32 s6, $0x1;
	s9 =	sadd.s32 s9, s10;
	s8 =	sadd.s32 s3, s1  }
0xd: {  	s3 =	sadd.s32 $0x24B400, s1;
	s1 =	ssub.s32 s6, s31;
	s6 =	sadd.s32 $0x10400, s8  }
0xe: {  	s7 =	sadd.s32 $0x9C00, s8;
	s8 =	sadd.s32 $0x3400, s8;
	s10 =	smax.u32 s1, $0x1  }
.LBB2_8:
0xf: {  	s28 =	sadd.s32 $0x1, s28  }
0x10: {  	p0 =	sne.s32 s28, s10  }
.Ltmp1:
0x11: {  	_ = 	snop;
	(pc) =	sbr.rel @!p0 .LBB2_9-.Ltmp1, $4  }
0x12: {  	[hbm4b:s9+s2] =	stream.linear.scatter [tilespmem:s26], [sflag:$0x3], $0x2000, $0x38;
	[tilespmem:$0x10400] =	vst v63  }
0x13: {  	_ =	swait.ge [sflag:s11], $0x2000  }
0x14: {  	[sflag:s11] =	ssyncset.done $0x0  }
0x15: {  	[sflag:s11] =	ssyncadd.s32 $0xFFFFE000  }
.LBB2_1:
0x16: {  	[tilespmem:s2], [sflag:$0x3] =	stream.linear.gather [hbm4b:s6+s2], $0x1A00, $0x38;
	[tilespmem:$0x10400] =	vst v63  }
0x17: {  	_ =	swait.ge [sflag:s11], $0x1A00  }
0x18: {  	[sflag:s11] =	ssyncset.done $0x0  }
0x19: {  	[sflag:s11] =	ssyncadd.s32 $0xFFFFE600  }
0x1a: {  	[tilespmem:s12], [sflag:$0x3] =	stream.linear.gather [hbm4b:s7+s2], $0x1A00, $0x38;
	[tilespmem:$0x10400] =	vst v63  }
0x1b: {  	_ =	swait.ge [sflag:s11], $0x1A00  }
0x1c: {  	[sflag:s11] =	ssyncset.done $0x0  }
0x1d: {  	[sflag:s11] =	ssyncadd.s32 $0xFFFFE600  }
0x1e: {  	[tilespmem:s13], [sflag:$0x3] =	stream.linear.gather [hbm4b:s8+s2], $0x1A00, $0x38;
	[tilespmem:$0x10400] =	vst v63  }
0x1f: {  	_ =	swait.ge [sflag:s11], $0x1A00  }
0x20: {  	[sflag:s11] =	ssyncset.done $0x0  }
0x21: {  	s0 =	simm.s32 $0x4E00;
	[sflag:s11] =	ssyncadd.s32 $0xFFFFE600  }
0x22: {  	[tilespmem:s0], [sflag:$0x1] =	stream.indirect.gather [hbm4b:s3+s14], $0x40, s2, s14, $0xb8;
	[tilespmem:$0x10400] =	vst v63  }
0x23: {  	_ = 	snop  }
0x24: {  	[tilespmem:s16], [sflag:$0x1] =	stream.indirect.gather [hbm4b:s4+s14], $0x40, s12, s14, $0xb8;
	[tilespmem:$0x10400] =	vst v63  }
0x25: {  	_ = 	snop  }
0x26: {  	[tilespmem:s17], [sflag:$0x1] =	stream.indirect.gather [hbm4b:s5+s14], $0x40, s13, s14, $0xb8;
	[tilespmem:$0x10400] =	vst v63  }
0x27: {  	_ = 	snop  }
0x28: {  	[tilespmem:s19], [sflag:$0x2] =	stream.indirect.gather [hbm4b:s3+s14], $0x40, s18, s14, $0xb8;
	[tilespmem:$0x10400] =	vst v63  }
0x29: {  	_ = 	snop  }
0x2a: {  	[tilespmem:s21], [sflag:$0x2] =	stream.indirect.gather [hbm4b:s4+s14], $0x40, s20, s14, $0xb8;
	[tilespmem:$0x10400] =	vst v63  }
0x2b: {  	s29 =	simm.s32 $0x0  }
0x2c: {  	[tilespmem:s23], [sflag:$0x2] =	stream.indirect.gather [hbm4b:s5+s14], $0x40, s22, s14, $0xb8;
	[tilespmem:$0x10400] =	vst v63  }
.LBB2_2:
0x2d: {  	_ =	swait.ge [sflag:s24], $0x1900  }
0x2e: {  	[sflag:s24] =	ssyncset.done $0x0  }
0x2f: {  	[sflag:s24] =	ssyncadd.s32 $0xFFFFE700  }
0x30: {  	_ =	swait.ge [sflag:s24], $0x1900  }
0x31: {  	[sflag:s24] =	ssyncset.done $0x0  }
0x32: {  	[sflag:s24] =	ssyncadd.s32 $0xFFFFE700  }
0x33: {  	_ =	swait.ge [sflag:s24], $0x1900  }
0x34: {  	[sflag:s24] =	ssyncset.done $0x0  }
0x35: {  	s30 =	simm.s32 $0xFFFFF380;
	[sflag:s24] =	ssyncadd.s32 $0xFFFFE700  }
0x36: {  	v2 =	vld [tilespmem:s30+$0x8C80]  }
0x37: {  	v3 =	vld [tilespmem:s30+$0x9900]  }
0x38: {  	v4 =	vld [tilespmem:s30+$0x8C90]  }
0x39: {  	v5 =	vld [tilespmem:s30+$0x9910]  }
0x3a: {  	v0 =	vld [tilespmem:s30+$0x8CA0]  }
0x3b: {  	v1 =	vld [tilespmem:s30+$0x9920]  }
0x3c: {  	v12 =	vld [tilespmem:s30+$0x7380]  }
0x3d: {  	v13 =	vld [tilespmem:s30+$0x8000]  }
0x3e: {  	v14 =	vld [tilespmem:s30+$0x7390]  }
0x3f: {  	v7 =	vld [tilespmem:s30+$0x5A80]  }
0x40: {  	v8 =	vld [tilespmem:s30+$0x6700]  }
0x41: {  	v9 =	vld [tilespmem:s30+$0x5A90]  }
0x42: {  	v17 =	vld [tilespmem:s30+$0x6710]  }
0x43: {  	v15 =	vld [tilespmem:s30+$0x8010]  }
0x44: {  	v10 =	vld [tilespmem:s30+$0x73A0]  }
0x45: {  	v6 =	vimm.f32 $0.0e+00;
	v11 =	vld [tilespmem:s30+$0x8020]  }
0x46: {  	v16 =	vld [tilespmem:s30+$0x5AA0];
	v19 =	vadd.f32 v7, v6;
	v20 =	vadd.f32 v8, v6  }
0x47: {  	v18 =	vld [tilespmem:s30+$0x6720];
	v21 =	vadd.f32 v9, v6;
	v22 =	vadd.f32 v17, v6  }
0x48: {  	s31 =	simm.s32 $0xFFFFCF00;
	v17 =	vld [tilespmem:s30+$0x5AB0];
	v9 =	vimm.f32 $0.0e+00;
	v8 =	vimm.f32 $0.0e+00;
	v7 =	vimm.f32 $0.0e+00  }
.LBB2_3:
0x49: {  	p0 =	sne.s32 s31, $0xFFFFFF00;
	v23 =	vld [tilespmem:s30+$0x6730];
	v12 =	vadd.f32 v12, v19;
	v13 =	vadd.f32 v13, v20  }
0x4a: {  	v14 =	vadd.f32 v14, v21;
	v15 =	vadd.f32 v15, v22;
	v19 =	vld [tilespmem:s30+$0x73B0]  }
0x4b: {  	v20 =	vld [tilespmem:s30+$0x8030];
	v21 =	vadd.f32 v2, v12;
	v22 =	vadd.f32 v3, v13  }
0x4c: {  	v24 =	vadd.f32 v4, v14;
	v25 =	vadd.f32 v5, v15;
	v12 =	vld [tilespmem:s30+$0x8CB0]  }
0x4d: {  	v4 =	vadd.f32 v16, v6;
	v5 =	vadd.f32 v18, v9;
	v13 =	vld [tilespmem:s30+$0x9930];
	s30 =	sshra.s32 s31, $0x2  }
0x4e: {  	v6 =	vadd.f32 v17, v8;
	v2 =	vld [tilespmem:s30+$0x8C80];
	v7 =	vadd.f32 v23, v7  }
0x4f: {  	v8 =	vadd.f32 v10, v4;
	v9 =	vadd.f32 v11, v5;
	v3 =	vld [tilespmem:s30+$0x9900]  }
0x50: {  	v10 =	vadd.f32 v19, v6;
	v4 =	vld [tilespmem:s30+$0x8C90];
	v7 =	vadd.f32 v20, v7  }
0x51: {  	v6 =	vadd.f32 v0, v8;
	v9 =	vadd.f32 v1, v9;
	v5 =	vld [tilespmem:s30+$0x9910]  }
0x52: {  	v8 =	vadd.f32 v12, v10;
	v0 =	vld [tilespmem:s30+$0x8CA0];
	v7 =	vadd.f32 v13, v7  }
0x53: {  	v1 =	vld [tilespmem:s30+$0x9920]  }
0x54: {  	v12 =	vld [tilespmem:s30+$0x7380]  }
0x55: {  	v13 =	vld [tilespmem:s30+$0x8000]  }
0x56: {  	v14 =	vld [tilespmem:s30+$0x7390]  }
0x57: {  	v15 =	vld [tilespmem:s30+$0x8010]  }
0x58: {  	v17 =	vld [tilespmem:s30+$0x5A80]  }
0x59: {  	v18 =	vld [tilespmem:s30+$0x6700]  }
0x5a: {  	v23 =	vld [tilespmem:s30+$0x5A90]  }
0x5b: {  	v26 =	vld [tilespmem:s30+$0x6710]  }
.Ltmp2:
0x5c: {  	v10 =	vld [tilespmem:s30+$0x73A0];
	(pc) =	sbr.rel @p0 .LBB2_3-.Ltmp2, $4  }
0x5d: {  	v11 =	vld [tilespmem:s30+$0x8020]  }
0x5e: {  	v16 =	vld [tilespmem:s30+$0x5AA0]  }
0x5f: {  	v19 =	vadd.f32 v17, v21;
	v20 =	vadd.f32 v18, v22;
	v18 =	vld [tilespmem:s30+$0x6720]  }
0x60: {  	s31 =	sadd.s32 $0x100, s31;
	v21 =	vadd.f32 v23, v24;
	v22 =	vadd.f32 v26, v25;
	v17 =	vld [tilespmem:s30+$0x5AB0]  }
0x61: {  	v23 =	vld [tilespmem:s30+$0x6730];
	v12 =	vadd.f32 v12, v19;
	v13 =	vadd.f32 v13, v20  }
0x62: {  	v19 =	vld [tilespmem:s30+$0x73B0];
	v14 =	vadd.f32 v14, v21;
	v15 =	vadd.f32 v15, v22  }
0x63: {  	v20 =	vld [tilespmem:s30+$0x8030];
	v2 =	vadd.f32 v2, v12;
	v3 =	vadd.f32 v3, v13  }
0x64: {  	s1 =	sshll.u32 s29, $0x8;
	v12 =	vld [tilespmem:s30+$0x8CB0];
	v6 =	vadd.f32 v16, v6;
	v4 =	vadd.f32 v4, v14  }
0x65: {  	v13 =	vld [tilespmem:s30+$0x9930];
	s30 =	sand.u32 $0x3FFFFF00, s1;
	v5 =	vadd.f32 v5, v15;
	v9 =	vadd.f32 v18, v9  }
0x66: {  	v8 =	vadd.f32 v17, v8;
	v6 =	vadd.f32 v10, v6;
	[tilespmem:s30+$0xE400] =	vst v2  }
0x67: {  	[tilespmem:s30+$0xE440] =	vst v3;
	v2 =	vadd.f32 v23, v7;
	v7 =	vadd.f32 v11, v9  }
0x68: {  	[tilespmem:s30+$0xE410] =	vst v4;
	v3 =	vadd.f32 v19, v8;
	v0 =	vadd.f32 v0, v6  }
0x69: {  	[tilespmem:s30+$0xE450] =	vst v5;
	v2 =	vadd.f32 v20, v2;
	v1 =	vadd.f32 v1, v7  }
0x6a: {  	p0 =	seq.s32 s29, $0x1F;
	v3 =	vadd.f32 v12, v3;
	[tilespmem:s30+$0xE420] =	vst v0  }
0x6b: {  	s1 =	smul.u32 @!p0 $0xD0, s29;
	v0 =	vadd.f32 v13, v2;
	[tilespmem:s30+$0xE460] =	vst v1  }
0x6c: {  	[tilespmem:s30+$0xE430] =	vst v3  }
0x6d: {  	s0 =	simm.s32 @!p0 $0x64;
	s15 =	simm.s32 @!p0 $0x4E00;
	s31 =	sadd.s32 @!p0 $0xD0, s1;
	[tilespmem:s30+$0xE470] =	vst v0  }
0x6e: {  	[tilespmem:s15], [sflag:$0x1] =	stream.indirect.gather @!p0 [hbm4b:s3+s0], $0x40, s31, s0, $0xb8;
	[tilespmem:$0x10400] =	vst v63  }
0x6f: {  	s15 =	sadd.s32 @!p0 $0x1AD0, s1;
	s31 =	simm.s32 @!p0 $0x6700  }
0x70: {  	[tilespmem:s31], [sflag:$0x1] =	stream.indirect.gather @!p0 [hbm4b:s4+s0], $0x40, s15, s0, $0xb8;
	[tilespmem:$0x10400] =	vst v63  }
0x71: {  	s1 =	sadd.s32 @!p0 $0x34D0, s1;
	s15 =	simm.s32 @!p0 $0x8000  }
0x72: {  	[tilespmem:s15], [sflag:$0x1] =	stream.indirect.gather @!p0 [hbm4b:s5+s0], $0x40, s1, s0, $0xb8;
	[tilespmem:$0x10400] =	vst v63  }
0x73: {  	_ =	swait.ge [sflag:s25], $0x1900  }
0x74: {  	[sflag:s25] =	ssyncset.done $0x0  }
0x75: {  	[sflag:s25] =	ssyncadd.s32 $0xFFFFE700  }
0x76: {  	_ =	swait.ge [sflag:s25], $0x1900  }
0x77: {  	[sflag:s25] =	ssyncset.done $0x0  }
0x78: {  	[sflag:s25] =	ssyncadd.s32 $0xFFFFE700  }
0x79: {  	_ =	swait.ge [sflag:s25], $0x1900  }
0x7a: {  	[sflag:s25] =	ssyncset.done $0x0  }
0x7b: {  	s31 =	simm.s32 $0x0;
	[sflag:s25] =	ssyncadd.s32 $0xFFFFE700  }
0x7c: {  	v2 =	vld [tilespmem:s31+$0xCB00]  }
0x7d: {  	v3 =	vld [tilespmem:s31+$0xD780]  }
0x7e: {  	v4 =	vld [tilespmem:s31+$0xCB10]  }
0x7f: {  	v5 =	vld [tilespmem:s31+$0xD790]  }
0x80: {  	v0 =	vld [tilespmem:s31+$0xCB20]  }
0x81: {  	v1 =	vld [tilespmem:s31+$0xD7A0]  }
0x82: {  	v12 =	vld [tilespmem:s31+$0xB200]  }
0x83: {  	v13 =	vld [tilespmem:s31+$0xBE80]  }
0x84: {  	v14 =	vld [tilespmem:s31+$0xB210]  }
0x85: {  	v7 =	vld [tilespmem:s31+$0x9900]  }
0x86: {  	v8 =	vld [tilespmem:s31+$0xA580]  }
0x87: {  	v9 =	vld [tilespmem:s31+$0x9910]  }
0x88: {  	v18 =	vld [tilespmem:s31+$0xA590]  }
0x89: {  	v15 =	vld [tilespmem:s31+$0xBE90]  }
0x8a: {  	v10 =	vld [tilespmem:s31+$0xB220]  }
0x8b: {  	v6 =	vimm.f32 $0.0e+00;
	v11 =	vld [tilespmem:s31+$0xBEA0]  }
0x8c: {  	v16 =	vld [tilespmem:s31+$0x9920];
	v19 =	vadd.f32 v7, v6;
	v20 =	vadd.f32 v8, v6  }
0x8d: {  	v17 =	vld [tilespmem:s31+$0xA5A0];
	v21 =	vadd.f32 v9, v6;
	v22 =	vadd.f32 v18, v6  }
0x8e: {  	s1 =	simm.s32 $0x100;
	v18 =	vld [tilespmem:s31+$0x9930];
	v9 =	vimm.f32 $0.0e+00;
	v8 =	vimm.f32 $0.0e+00;
	v7 =	vimm.f32 $0.0e+00  }
.LBB2_5:
0x8f: {  	p1 =	sne.s32 s1, $0x3100;
	v23 =	vld [tilespmem:s31+$0xA5B0];
	v12 =	vadd.f32 v12, v19;
	v13 =	vadd.f32 v13, v20  }
0x90: {  	v14 =	vadd.f32 v14, v21;
	v15 =	vadd.f32 v15, v22;
	v19 =	vld [tilespmem:s31+$0xB230]  }
0x91: {  	v20 =	vld [tilespmem:s31+$0xBEB0];
	v21 =	vadd.f32 v2, v12;
	v22 =	vadd.f32 v3, v13  }
0x92: {  	v24 =	vadd.f32 v4, v14;
	v25 =	vadd.f32 v5, v15;
	v12 =	vld [tilespmem:s31+$0xCB30]  }
0x93: {  	v4 =	vadd.f32 v16, v6;
	v5 =	vadd.f32 v17, v9;
	v13 =	vld [tilespmem:s31+$0xD7B0];
	s31 =	sshra.s32 s1, $0x2  }
0x94: {  	v6 =	vadd.f32 v18, v8;
	v2 =	vld [tilespmem:s31+$0xCB00];
	v7 =	vadd.f32 v23, v7  }
0x95: {  	v8 =	vadd.f32 v10, v4;
	v9 =	vadd.f32 v11, v5;
	v3 =	vld [tilespmem:s31+$0xD780]  }
0x96: {  	v10 =	vadd.f32 v19, v6;
	v4 =	vld [tilespmem:s31+$0xCB10];
	v7 =	vadd.f32 v20, v7  }
0x97: {  	v6 =	vadd.f32 v0, v8;
	v9 =	vadd.f32 v1, v9;
	v5 =	vld [tilespmem:s31+$0xD790]  }
0x98: {  	v8 =	vadd.f32 v12, v10;
	v0 =	vld [tilespmem:s31+$0xCB20];
	v7 =	vadd.f32 v13, v7  }
0x99: {  	v1 =	vld [tilespmem:s31+$0xD7A0]  }
0x9a: {  	v12 =	vld [tilespmem:s31+$0xB200]  }
0x9b: {  	v13 =	vld [tilespmem:s31+$0xBE80]  }
0x9c: {  	v14 =	vld [tilespmem:s31+$0xB210]  }
0x9d: {  	v15 =	vld [tilespmem:s31+$0xBE90]  }
0x9e: {  	v17 =	vld [tilespmem:s31+$0x9900]  }
0x9f: {  	v18 =	vld [tilespmem:s31+$0xA580]  }
0xa0: {  	v23 =	vld [tilespmem:s31+$0x9910]  }
0xa1: {  	v26 =	vld [tilespmem:s31+$0xA590]  }
.Ltmp3:
0xa2: {  	v10 =	vld [tilespmem:s31+$0xB220];
	(pc) =	sbr.rel @p1 .LBB2_5-.Ltmp3, $4  }
0xa3: {  	v11 =	vld [tilespmem:s31+$0xBEA0]  }
0xa4: {  	v16 =	vld [tilespmem:s31+$0x9920]  }
0xa5: {  	v19 =	vadd.f32 v17, v21;
	v20 =	vadd.f32 v18, v22;
	v17 =	vld [tilespmem:s31+$0xA5A0]  }
0xa6: {  	s1 =	sadd.s32 $0x100, s1;
	v21 =	vadd.f32 v23, v24;
	v22 =	vadd.f32 v26, v25;
	v18 =	vld [tilespmem:s31+$0x9930]  }
0xa7: {  	v12 =	vadd.f32 v12, v19;
	v13 =	vadd.f32 v13, v20  }
0xa8: {  	v23 =	vld [tilespmem:s31+$0xA5B0];
	v14 =	vadd.f32 v14, v21;
	v15 =	vadd.f32 v15, v22  }
0xa9: {  	v56 =	vld [tilespmem:s31+$0xB230];
	v2 =	vadd.f32 v2, v12;
	v3 =	vadd.f32 v3, v13  }
0xaa: {  	v57 =	vld [tilespmem:s31+$0xBEB0];
	v6 =	vadd.f32 v16, v6;
	v4 =	vadd.f32 v4, v14  }
0xab: {  	v58 =	vld [tilespmem:s31+$0xCB30];
	v5 =	vadd.f32 v5, v15;
	v9 =	vadd.f32 v17, v9  }
0xac: {  	v59 =	vld [tilespmem:s31+$0xD7B0];
	v8 =	vadd.f32 v18, v8;
	v6 =	vadd.f32 v10, v6;
	[tilespmem:s30+$0xE480] =	vst v2  }
0xad: {  	[tilespmem:s30+$0xE4C0] =	vst v3;
	v60 =	vadd.f32 v23, v7;
	v61 =	vadd.f32 v11, v9  }
0xae: {  	[tilespmem:s30+$0xE490] =	vst v4;
	v62 =	vadd.f32 v56, v8;
	v0 =	vadd.f32 v0, v6  }
.Ltmp4:
0xaf: {  	[tilespmem:s30+$0xE4D0] =	vst v5;
	v2 =	vadd.f32 v57, v60;
	v1 =	vadd.f32 v1, v61;
	(pc) =	sbr.rel @p0 .LBB2_8-.Ltmp4, $4  }
0xb0: {  	v3 =	vadd.f32 v58, v62;
	[tilespmem:s30+$0xE4A0] =	vst v0  }
0xb1: {  	v63 =	vadd.f32 v59, v2;
	[tilespmem:s30+$0xE4E0] =	vst v1  }
0xb2: {  	[tilespmem:s30+$0xE4B0] =	vst v3  }
0xb3: {  	[tilespmem:s30+$0xE4F0] =	vst v63  }
0xb4: {  	s0 =	smul.u32 $0xD0, s29;
	_ =	sdelay $0x1  }
0xb5: {  	s1 =	sadd.s32 $0x138, s0  }
0xb6: {  	[tilespmem:s19], [sflag:$0x2] =	stream.indirect.gather [hbm4b:s3+s14], $0x40, s1, s14, $0xb8;
	[tilespmem:$0x10400] =	vst v63  }
.Ltmp5:
0xb7: {  	_ = 	snop;
	(pc) =	sbr.rel .LBB2_2-.Ltmp5, $4  }
0xb8: {  	s31 =	sadd.s32 $0x1B38, s0  }
0xb9: {  	[tilespmem:s21], [sflag:$0x2] =	stream.indirect.gather [hbm4b:s4+s14], $0x40, s31, s14, $0xb8;
	[tilespmem:$0x10400] =	vst v63  }
0xba: {  	s29 =	sadd.s32 $0x1, s29;
	s0 =	sadd.s32 $0x3538, s0  }
0xbb: {  	[tilespmem:s23], [sflag:$0x2] =	stream.indirect.gather [hbm4b:s5+s14], $0x40, s0, s14, $0xb8;
	[tilespmem:$0x10400] =	vst v63  }
.LBB2_9:
0xbc: {  	_ =	sfence.sel $0x180000  }
0xbd: {  	[bflag:$0x0] =	sbarrier.arrive $0xFFFF  }
0xbe: {  	_ =	strace $0x90000047  }
0xbf: {  	s0 =	stileid.u32;
	[bflag:$0x2] =	sbarrier.arrive $0xFFFF  }
0xc0: {  	p0 =	sne.s32 s0, $0x0;
	s0 =	rddreg [dreg:$0x2]  }
0xc1: {  	s0 =	sadd.s32 @!p0 $0x100000, s0  }
0xc2: {  	[sflag:s0] =	ssyncadd.tile.s32 @!p0 $0x1;
	_ =	shalt  }
.Lfunc_end2:
_tile_overlayer_lowered:
.L_overlay_start_2:
0xc3: {  	(tag) =	ssettag $0x2  }
0xc4: {  	s0 =	rddreg [dreg:$0x0];
	s2 =	stileid.u32  }
0xc5: {  	s1 =	rddreg [dreg:$0x1];
	p0 =	sne.s32 s2, $0x0  }
0xc6: {  	s3 =	rddreg [dreg:$0x2];
	[bflag:$0x3] =	sbarrier.arrive $0xFFFF;
	s2 =	simm.s32 @!p0 $0x1C03  }
0xc7: {  	[timem:s3], [sflag:s2] =	dma.local @!p0 [hbm:s0], s1  }
0xc8: {  	s0 =	simm.s32 @!p0 $0x3  }
0xc9: {  	_ =	swait.ge @!p0 [sflag:s0], s1  }
0xca: {  	s1 =	ssub.s32 @!p0 $0x0, s1;
	[sflag:s0] =	ssyncset.done @!p0 $0x0  }
0xcb: {  	[sflag:s0] =	ssyncadd.s32 @!p0 s1  }
0xcc: {  	[bflag:$0x3] =	sbarrier.arrive $0xFFFF  }
0xcd: {  	_ =	shalt  }

</sc_bundles>
